<compile_context>
chip_gen: v7x
topology: tpu7x:2x2x1
jax: 0.10.2.dev20260603
libtpu: 0.0.44.dev20260713+nightly
codegen_flags: <defaults>
</compile_context>

<pallas_src>
import functools

import jax
import jax.numpy as jnp
from jax import lax
from jax.experimental import pallas as pl
from jax.experimental.pallas import tpu as pltpu
from jax.experimental.pallas import tpu_sc as plsc

_K = 16
_GRID_LEN = 32
_QB = 128


def _stage_a_body(x_ref, out_ref):
    qb = pl.program_id(1)
    xb = x_ref[0]
    x01 = xb[0:2, :]

    mn0 = jnp.min(xb[0:1, :])
    mx0 = jnp.max(xb[0:1, :])
    mn1 = jnp.min(xb[1:2, :])
    mx1 = jnp.max(xb[1:2, :])
    j = lax.broadcasted_iota(jnp.int32, (_QB, 2), 0) + qb * _QB
    c = lax.broadcasted_iota(jnp.int32, (_QB, 2), 1)
    mesh = jnp.where(c == 0, j % _GRID_LEN, j // _GRID_LEN).astype(jnp.float32)
    mesh = mesh / jnp.float32(_GRID_LEN)
    mn = jnp.where(c == 0, mn0, mn1)
    mx = jnp.where(c == 0, mx0, mx1)
    q = mesh * (mx - mn) + mn

    inner = -2.0 * lax.dot_general(
        q, x01, (((1,), (0,)), ((), ())), preferred_element_type=jnp.float32
    )
    xsq01 = jnp.sum(x01 * x01, axis=0, keepdims=True)
    qsq = jnp.sum(q * q, axis=1, keepdims=True)
    d1 = (-xsq01) - inner - qsq
    idx1 = jnp.argmax(d1, axis=-1).astype(jnp.int32)
    out_ref[0] = idx1[:, None]


def _stage_a(x):
    B, C, P = x.shape
    S = _GRID_LEN * _GRID_LEN
    return pl.pallas_call(
        _stage_a_body,
        grid=(B, S // _QB),
        in_specs=[pl.BlockSpec((1, C, P), lambda b, qb: (b, 0, 0))],
        out_specs=pl.BlockSpec((1, _QB, 1), lambda b, qb: (b, qb, 0)),
        out_shape=jax.ShapeDtypeStruct((B, S, 1), jnp.int32),
    )(x)


def _stage_c_body(x_ref, s_ref, out_ref):
    xb = x_ref[0]
    P = xb.shape[1]
    st = s_ref[0]

    inner2 = -2.0 * lax.dot_general(
        st, xb, (((1,), (0,)), ((), ())), preferred_element_type=jnp.float32
    )
    xsq = jnp.sum(xb * xb, axis=0, keepdims=True)
    ssq = jnp.sum(st * st, axis=1, keepdims=True)
    d = (-xsq) - inner2 - ssq

    lid = lax.broadcasted_iota(jnp.int32, (_QB, P), 1)
    neg_inf = jnp.float32(float("-inf"))
    for k in range(_K):
        idx = jnp.argmax(d, axis=-1).astype(jnp.int32)
        out_ref[0, :, k] = idx
        d = jnp.where(lid == idx[:, None], neg_inf, d)


def _tc_knn(x, sel_t):
    B, C, P = x.shape
    S = sel_t.shape[1]
    return pl.pallas_call(
        _stage_c_body,
        grid=(B, S // _QB),
        in_specs=[
            pl.BlockSpec((1, C, P), lambda b, qb: (b, 0, 0)),
            pl.BlockSpec((1, _QB, C), lambda b, qb: (b, qb, 0)),
        ],
        out_specs=pl.BlockSpec((1, _QB, _K), lambda b, qb: (b, qb, 0)),
        out_shape=jax.ShapeDtypeStruct((B, S, _K), jnp.int32),
    )(x, sel_t)


_IDXB = 128


def _sc_gather_call(table, gidx):
    M = gidx.shape[0]
    info = plsc.get_sparse_core_info()
    nw = info.num_cores * info.num_subcores
    chunk = M // nw
    assert chunk % _IDXB == 0 and M % nw == 0
    nb = chunk // _IDXB
    mesh = plsc.VectorSubcoreMesh(core_axis_name="c", subcore_axis_name="s")

    @functools.partial(
        pl.kernel,
        mesh=mesh,
        out_type=jax.ShapeDtypeStruct((M, 16), jnp.float32),
        compiler_params=pltpu.CompilerParams(use_tc_tiling_on_sc=False),
        scratch_types=[
            pltpu.VMEM((nb, _IDXB), jnp.int32),
            pltpu.VMEM((chunk, 16), jnp.float32),
            pltpu.SemaphoreType.DMA,
        ],
    )
    def k(table_hbm, idx_hbm, out_hbm, idx_v, rows_v, sem):
        wid = lax.axis_index("c") * info.num_subcores + lax.axis_index("s")
        pltpu.sync_copy(idx_hbm.at[pl.ds(wid * nb, nb)], idx_v)
        copies = []
        for r in range(nb):
            copies.append(
                pltpu.async_copy(
                    table_hbm.at[idx_v.at[r]],
                    rows_v.at[pl.ds(r * _IDXB, _IDXB)],
                    sem,
                )
            )
        for cp in copies:
            cp.wait()
        pltpu.sync_copy(rows_v, out_hbm.at[pl.ds(wid * chunk, chunk)])

    return k(table, gidx.reshape(M // _IDXB, _IDXB))


def kernel(x, s_num):
    B, C, P = x.shape
    S = _GRID_LEN * _GRID_LEN
    table = jnp.pad(jnp.swapaxes(x, 1, 2), ((0, 0), (0, 0), (0, 16 - C)))
    table = table.reshape(B * P, 16)
    boff = (jnp.arange(B, dtype=jnp.int32) * P)[:, None]

    idx1 = _stage_a(x).reshape(B, S)
    sel_t = _sc_gather_call(table, (idx1 + boff).reshape(-1))
    sel_t = sel_t[:, :C].reshape(B, S, C)
    idx2 = _tc_knn(x, sel_t)
    feat = _sc_gather_call(table, (idx2.reshape(B, S * _K) + boff).reshape(-1))
    return jnp.transpose(feat[:, :C].reshape(B, S, _K, C), (0, 3, 1, 2))

# --- scband reference (transcript-rebuilt; emitter-appended) ---
"""Pipeline reference for scband-dynamic-sampling-m-86526411145606 (READ-ONLY COPY).

The authoritative reference and input builder live on the scoring server;
editing this copy changes nothing except your own understanding.
"""

import jax, jax.numpy as jnp
import numpy as np
import math

K = 16
DILATION = 1

def gether_neibour(X, indx, sample_n, neigh):
    B, C, P = X.shape
    B1, n1, p1 = indx.shape
    assert B == B1
    assert n1 == neigh
    idx = jnp.broadcast_to(indx.reshape(B1, 1, n1 * p1), (B, C, n1 * p1))
    feature = jnp.take_along_axis(X, idx, axis=2)
    feature = feature.reshape(B, C, n1, p1).transpose(0, 3, 2, 1)
    return feature

def knn(x, x2, k, dilation=1):
    inner = -2.0 * jnp.matmul(jnp.swapaxes(x, 2, 1), x2)
    xx = jnp.sum(x ** 2, axis=1, keepdims=True)
    xx2 = jnp.sum(x2 ** 2, axis=1, keepdims=True)
    pairwise_distance = -jnp.swapaxes(xx, 2, 1) - inner - xx2
    # torch.topk(dim=-2): top-k along the P axis; lax.top_k works on last axis
    _, idx = jax.lax.top_k(jnp.swapaxes(pairwise_distance, 2, 1), k * dilation)
    idx = jnp.swapaxes(idx, 2, 1)  # [B, k*dilation, S]
    return idx[:, :, ::dilation]

def setup_inputs(seed: int = 0) -> dict:
    key = jax.random.key(seed)
    x = jax.random.normal(key, (4, 3, 8192), dtype=jnp.float32)
    return {"x": x, "s_num": 1024}

S_NUM_CONST = 1024

def reference(x, s_num):
    B, C, P = x.shape
    # s_num <= P branch of the original module
    get_neighbour = s_num
    length = math.ceil(math.sqrt(S_NUM_CONST))
    mesh = jnp.arange(0, length).astype(jnp.float32) / length
    mesh01 = jnp.tile(mesh[None, :], (length, 1)).reshape(1, 1, length * length)
    mesh02 = jnp.tile(mesh[:, None], (1, length)).reshape(1, 1, length * length)
    mesh = jnp.concatenate([mesh01, mesh02], axis=1)
    mesh = jnp.tile(mesh, (B, 1, 1))
    PointSample = mesh + 0.0 * jnp.asarray(s_num, jnp.float32)
    Point_x = x[:, :2, :]
    min_x = jnp.min(Point_x, axis=2, keepdims=True)
    max_x = jnp.max(Point_x, axis=2, keepdims=True)
    PointSample = PointSample * (max_x - min_x) + min_x
    indx = knn(Point_x, PointSample, 1, DILATION)
    select_point = gether_neibour(x, indx, get_neighbour, 1)
    select_point = jnp.transpose(select_point[:, :, 0, :], (0, 2, 1))
    indx2 = knn(x[:, :3, :], select_point[:, :3, :], K, DILATION)
    feature = gether_neibour(x, indx2, s_num, K)
    return jnp.transpose(feature, (0, 3, 1, 2))

if __name__ == "__main__":
    import jax
    _d = setup_inputs()
    print(jax.jit(kernel)(*tuple(_d.values())))

</pallas_src>

<mosaic_0001>
#map = affine_map<(d0, d1) -> (0, 0)>
module attributes {stable_mosaic.version = 14 : i64} {
  func.func @k(%arg0: i32, %arg1: i32, %arg2: memref<32768x16xf32, #tpu.memory_space<hbm>>, %arg3: memref<32x128xi32, #tpu.memory_space<hbm>>, %arg4: memref<4096x16xf32, #tpu.memory_space<hbm>>, %arg5: memref<1x128xi32, #tpu.memory_space<vmem>>, %arg6: memref<128x16xf32, #tpu.memory_space<vmem>>, %arg7: memref<!tpu.dma_semaphore, #tpu.memory_space<semaphore_mem>>) attributes {dimension_semantics = [#tpu.dimension_semantics<core_parallel>, #tpu.dimension_semantics<subcore_parallel>], iteration_bounds = array<i64: 2, 16>, scalar_prefetch = 0 : i64, scratch_operands = 3 : i64, tpu.core_type = #tpu.core_type<sc_vector_subcore>, window_params = [{transform_indices = #map}, {transform_indices = #map}, {transform_indices = #map}]} {
    %mul3A = arith.constant 16 : i32
    %mul3A_0 = arith.muli %arg0, %mul3A : i32
    %add3A = arith.addi %mul3A_0, %arg1 : i32
    %mul3A_1 = arith.constant 1 : i32
    %mul3A_2 = arith.muli %add3A, %mul3A_1 : i32
    "tpu.region"() ({
      %run_scoped3A = tpu.sem_alloc : memref<!tpu.dma_semaphore, #tpu.memory_space<semaphore_mem>>
      %dma_start3A_23 = arith.constant 0 : i32
      %dma_start3A_24 = tpu.memref_slice %arg3[%mul3A_2, %dma_start3A_23] : memref<32x128xi32, #tpu.memory_space<hbm>> -> memref<1x128xi32, #tpu.memory_space<hbm>>
      %dma_start3A_25 = arith.constant 0 : i32
      %dma_start3A_26 = tpu.memref_slice %arg3[%mul3A_2, %dma_start3A_25] : memref<32x128xi32, #tpu.memory_space<hbm>> -> memref<1x128xi32, #tpu.memory_space<hbm>>
      tpu.enqueue_dma source(%dma_start3A_26 : memref<1x128xi32, #tpu.memory_space<hbm>>) target(%arg5 : memref<1x128xi32, #tpu.memory_space<vmem>>) target_semaphore(%run_scoped3A : memref<!tpu.dma_semaphore, #tpu.memory_space<semaphore_mem>>)
      %dma_wait3A_27 = arith.constant 0 : i32
      %dma_wait3A_28 = tpu.memref_slice %arg3[%mul3A_2, %dma_wait3A_27] : memref<32x128xi32, #tpu.memory_space<hbm>> -> memref<1x128xi32, #tpu.memory_space<hbm>>
      %dma_wait3A_29 = arith.constant 0 : i32
      %dma_wait3A_30 = tpu.memref_slice %arg3[%mul3A_2, %dma_wait3A_29] : memref<32x128xi32, #tpu.memory_space<hbm>> -> memref<1x128xi32, #tpu.memory_space<hbm>>
      tpu.wait_dma2 semaphore(%run_scoped3A : memref<!tpu.dma_semaphore, #tpu.memory_space<semaphore_mem>>) src(%dma_wait3A_30 : memref<1x128xi32, #tpu.memory_space<hbm>>) dst(%arg5 : memref<1x128xi32, #tpu.memory_space<vmem>>)
      tpu.yield
    }) : () -> ()
    %dma_start3A = arith.constant 0 : i32
    %dma_start3A_3 = arith.constant 0 : i32
    %dma_start3A_4 = arith.constant 0 : i32
    %dma_start3A_5 = tpu.memref_slice %arg6[%dma_start3A_3, %dma_start3A_4] : memref<128x16xf32, #tpu.memory_space<vmem>> -> memref<128x16xf32, #tpu.memory_space<vmem>>
    %dma_start3A_6 = arith.constant 0 : i32
    %dma_start3A_7 = tpu.memref_slice %arg5[%dma_start3A, %dma_start3A_6] : memref<1x128xi32, #tpu.memory_space<vmem>> -> memref<1x128xi32, #tpu.memory_space<vmem>>
    %dma_start3A_8 = tpu.memref_squeeze %dma_start3A_7 : memref<1x128xi32, #tpu.memory_space<vmem>> -> memref<128xi32, #tpu.memory_space<vmem>>
    %dma_start3A_9 = arith.constant 0 : i32
    %dma_start3A_10 = arith.constant 0 : i32
    %dma_start3A_11 = tpu.memref_slice %arg2[%dma_start3A_9, %dma_start3A_10] : memref<32768x16xf32, #tpu.memory_space<hbm>> -> memref<32768x16xf32, #tpu.memory_space<hbm>>
    tpu.enqueue_indirect_dma source(%dma_start3A_11 : memref<32768x16xf32, #tpu.memory_space<hbm>>) target(%dma_start3A_5 : memref<128x16xf32, #tpu.memory_space<vmem>>) offsets(%dma_start3A_8 : memref<128xi32, #tpu.memory_space<vmem>>) semaphore(%arg7 : memref<!tpu.dma_semaphore, #tpu.memory_space<semaphore_mem>>)
    %dma_wait3A = arith.constant 0 : i32
    %dma_wait3A_12 = arith.constant 0 : i32
    %dma_wait3A_13 = arith.constant 0 : i32
    %dma_wait3A_14 = tpu.memref_slice %arg6[%dma_wait3A_12, %dma_wait3A_13] : memref<128x16xf32, #tpu.memory_space<vmem>> -> memref<128x16xf32, #tpu.memory_space<vmem>>
    %dma_wait3A_15 = arith.constant 0 : i32
    %dma_wait3A_16 = tpu.memref_slice %arg5[%dma_wait3A, %dma_wait3A_15] : memref<1x128xi32, #tpu.memory_space<vmem>> -> memref<1x128xi32, #tpu.memory_space<vmem>>
    %dma_wait3A_17 = tpu.memref_squeeze %dma_wait3A_16 : memref<1x128xi32, #tpu.memory_space<vmem>> -> memref<128xi32, #tpu.memory_space<vmem>>
    %dma_wait3A_18 = arith.constant 0 : i32
    %dma_wait3A_19 = arith.constant 0 : i32
    %dma_wait3A_20 = tpu.memref_slice %arg2[%dma_wait3A_18, %dma_wait3A_19] : memref<32768x16xf32, #tpu.memory_space<hbm>> -> memref<32768x16xf32, #tpu.memory_space<hbm>>
    tpu.wait_indirect_dma semaphore(%arg7 : memref<!tpu.dma_semaphore, #tpu.memory_space<semaphore_mem>>) src(%dma_wait3A_20 : memref<32768x16xf32, #tpu.memory_space<hbm>>) dst(%dma_wait3A_14 : memref<128x16xf32, #tpu.memory_space<vmem>>)
    %mul3A_21 = arith.constant 128 : i32
    %mul3A_22 = arith.muli %add3A, %mul3A_21 : i32
    "tpu.region"() ({
      %run_scoped3A = tpu.sem_alloc : memref<!tpu.dma_semaphore, #tpu.memory_space<semaphore_mem>>
      %dma_start3A_23 = arith.constant 0 : i32
      %dma_start3A_24 = tpu.memref_slice %arg4[%mul3A_22, %dma_start3A_23] : memref<4096x16xf32, #tpu.memory_space<hbm>> -> memref<128x16xf32, #tpu.memory_space<hbm>>
      %dma_start3A_25 = arith.constant 0 : i32
      %dma_start3A_26 = tpu.memref_slice %arg4[%mul3A_22, %dma_start3A_25] : memref<4096x16xf32, #tpu.memory_space<hbm>> -> memref<128x16xf32, #tpu.memory_space<hbm>>
      tpu.enqueue_dma source(%arg6 : memref<128x16xf32, #tpu.memory_space<vmem>>) target(%dma_start3A_26 : memref<128x16xf32, #tpu.memory_space<hbm>>) target_semaphore(%run_scoped3A : memref<!tpu.dma_semaphore, #tpu.memory_space<semaphore_mem>>)
      %dma_wait3A_27 = arith.constant 0 : i32
      %dma_wait3A_28 = tpu.memref_slice %arg4[%mul3A_22, %dma_wait3A_27] : memref<4096x16xf32, #tpu.memory_space<hbm>> -> memref<128x16xf32, #tpu.memory_space<hbm>>
      %dma_wait3A_29 = arith.constant 0 : i32
      %dma_wait3A_30 = tpu.memref_slice %arg4[%mul3A_22, %dma_wait3A_29] : memref<4096x16xf32, #tpu.memory_space<hbm>> -> memref<128x16xf32, #tpu.memory_space<hbm>>
      tpu.wait_dma2 semaphore(%run_scoped3A : memref<!tpu.dma_semaphore, #tpu.memory_space<semaphore_mem>>) src(%arg6 : memref<128x16xf32, #tpu.memory_space<vmem>>) dst(%dma_wait3A_30 : memref<128x16xf32, #tpu.memory_space<hbm>>)
      tpu.yield
    }) : () -> ()
    return
  }
}

#map = affine_map<(d0, d1) -> (0, 0)>
module attributes {stable_mosaic.version = 14 : i64} {
  func.func @k(%arg0: i32, %arg1: i32, %arg2: memref<32768x16xf32, #tpu.memory_space<hbm>>, %arg3: memref<512x128xi32, #tpu.memory_space<hbm>>, %arg4: memref<65536x16xf32, #tpu.memory_space<hbm>>, %arg5: memref<16x128xi32, #tpu.memory_space<vmem>>, %arg6: memref<2048x16xf32, #tpu.memory_space<vmem>>, %arg7: memref<!tpu.dma_semaphore, #tpu.memory_space<semaphore_mem>>) attributes {dimension_semantics = [#tpu.dimension_semantics<core_parallel>, #tpu.dimension_semantics<subcore_parallel>], iteration_bounds = array<i64: 2, 16>, scalar_prefetch = 0 : i64, scratch_operands = 3 : i64, tpu.core_type = #tpu.core_type<sc_vector_subcore>, window_params = [{transform_indices = #map}, {transform_indices = #map}, {transform_indices = #map}]} {
    %mul3A = arith.constant 16 : i32
    %mul3A_0 = arith.muli %arg0, %mul3A : i32
    %add3A = arith.addi %mul3A_0, %arg1 : i32
    %mul3A_1 = arith.constant 16 : i32
    %mul3A_2 = arith.muli %add3A, %mul3A_1 : i32
    "tpu.region"() ({
      %run_scoped3A = tpu.sem_alloc : memref<!tpu.dma_semaphore, #tpu.memory_space<semaphore_mem>>
      %dma_start3A_323 = arith.constant 0 : i32
      %dma_start3A_324 = tpu.memref_slice %arg3[%mul3A_2, %dma_start3A_323] : memref<512x128xi32, #tpu.memory_space<hbm>> -> memref<16x128xi32, #tpu.memory_space<hbm>>
      %dma_start3A_325 = arith.constant 0 : i32
      %dma_start3A_326 = tpu.memref_slice %arg3[%mul3A_2, %dma_start3A_325] : memref<512x128xi32, #tpu.memory_space<hbm>> -> memref<16x128xi32, #tpu.memory_space<hbm>>
      tpu.enqueue_dma source(%dma_start3A_326 : memref<16x128xi32, #tpu.memory_space<hbm>>) target(%arg5 : memref<16x128xi32, #tpu.memory_space<vmem>>) target_semaphore(%run_scoped3A : memref<!tpu.dma_semaphore, #tpu.memory_space<semaphore_mem>>)
      %dma_wait3A_327 = arith.constant 0 : i32
      %dma_wait3A_328 = tpu.memref_slice %arg3[%mul3A_2, %dma_wait3A_327] : memref<512x128xi32, #tpu.memory_space<hbm>> -> memref<16x128xi32, #tpu.memory_space<hbm>>
      %dma_wait3A_329 = arith.constant 0 : i32
      %dma_wait3A_330 = tpu.memref_slice %arg3[%mul3A_2, %dma_wait3A_329] : memref<512x128xi32, #tpu.memory_space<hbm>> -> memref<16x128xi32, #tpu.memory_space<hbm>>
      tpu.wait_dma2 semaphore(%run_scoped3A : memref<!tpu.dma_semaphore, #tpu.memory_space<semaphore_mem>>) src(%dma_wait3A_330 : memref<16x128xi32, #tpu.memory_space<hbm>>) dst(%arg5 : memref<16x128xi32, #tpu.memory_space<vmem>>)
      tpu.yield
    }) : () -> ()
    %dma_start3A = arith.constant 0 : i32
    %dma_start3A_3 = arith.constant 0 : i32
    %dma_start3A_4 = arith.constant 0 : i32
    %dma_start3A_5 = tpu.memref_slice %arg6[%dma_start3A_3, %dma_start3A_4] : memref<2048x16xf32, #tpu.memory_space<vmem>> -> memref<128x16xf32, #tpu.memory_space<vmem>>
    %dma_start3A_6 = arith.constant 0 : i32
    %dma_start3A_7 = tpu.memref_slice %arg5[%dma_start3A, %dma_start3A_6] : memref<16x128xi32, #tpu.memory_space<vmem>> -> memref<1x128xi32, #tpu.memory_space<vmem>>
    %dma_start3A_8 = tpu.memref_squeeze %dma_start3A_7 : memref<1x128xi32, #tpu.memory_space<vmem>> -> memref<128xi32, #tpu.memory_space<vmem>>
    %dma_start3A_9 = arith.constant 0 : i32
    %dma_start3A_10 = arith.constant 0 : i32
    %dma_start3A_11 = tpu.memref_slice %arg2[%dma_start3A_9, %dma_start3A_10] : memref<32768x16xf32, #tpu.memory_space<hbm>> -> memref<32768x16xf32, #tpu.memory_space<hbm>>
    tpu.enqueue_indirect_dma source(%dma_start3A_11 : memref<32768x16xf32, #tpu.memory_space<hbm>>) target(%dma_start3A_5 : memref<128x16xf32, #tpu.memory_space<vmem>>) offsets(%dma_start3A_8 : memref<128xi32, #tpu.memory_space<vmem>>) semaphore(%arg7 : memref<!tpu.dma_semaphore, #tpu.memory_space<semaphore_mem>>)
    %dma_start3A_12 = arith.constant 1 : i32
    %dma_start3A_13 = arith.constant 128 : i32
    %dma_start3A_14 = arith.constant 0 : i32
    %dma_start3A_15 = tpu.memref_slice %arg6[%dma_start3A_13, %dma_start3A_14] : memref<2048x16xf32, #tpu.memory_space<vmem>> -> memref<128x16xf32, #tpu.memory_space<vmem>>
    %dma_start3A_16 = arith.constant 0 : i32
    %dma_start3A_17 = tpu.memref_slice %arg5[%dma_start3A_12, %dma_start3A_16] : memref<16x128xi32, #tpu.memory_space<vmem>> -> memref<1x128xi32, #tpu.memory_space<vmem>>
    %dma_start3A_18 = tpu.memref_squeeze %dma_start3A_17 : memref<1x128xi32, #tpu.memory_space<vmem>> -> memref<128xi32, #tpu.memory_space<vmem>>
    %dma_start3A_19 = arith.constant 0 : i32
    %dma_start3A_20 = arith.constant 0 : i32
    %dma_start3A_21 = tpu.memref_slice %arg2[%dma_start3A_19, %dma_start3A_20] : memref<32768x16xf32, #tpu.memory_space<hbm>> -> memref<32768x16xf32, #tpu.memory_space<hbm>>
    tpu.enqueue_indirect_dma source(%dma_start3A_21 : memref<32768x16xf32, #tpu.memory_space<hbm>>) target(%dma_start3A_15 : memref<128x16xf32, #tpu.memory_space<vmem>>) offsets(%dma_start3A_18 : memref<128xi32, #tpu.memory_space<vmem>>) semaphore(%arg7 : memref<!tpu.dma_semaphore, #tpu.memory_space<semaphore_mem>>)
    %dma_start3A_22 = arith.constant 2 : i32
    %dma_start3A_23 = arith.constant 256 : i32
    %dma_start3A_24 = arith.constant 0 : i32
    %dma_start3A_25 = tpu.memref_slice %arg6[%dma_start3A_23, %dma_start3A_24] : memref<2048x16xf32, #tpu.memory_space<vmem>> -> memref<128x16xf32, #tpu.memory_space<vmem>>
    %dma_start3A_26 = arith.constant 0 : i32
    %dma_start3A_27 = tpu.memref_slice %arg5[%dma_start3A_22, %dma_start3A_26] : memref<16x128xi32, #tpu.memory_space<vmem>> -> memref<1x128xi32, #tpu.memory_space<vmem>>
    %dma_start3A_28 = tpu.memref_squeeze %dma_start3A_27 : memref<1x128xi32, #tpu.memory_space<vmem>> -> memref<128xi32, #tpu.memory_space<vmem>>
    %dma_start3A_29 = arith.constant 0 : i32
    %dma_start3A_30 = arith.constant 0 : i32
    %dma_start3A_31 = tpu.memref_slice %arg2[%dma_start3A_29, %dma_start3A_30] : memref<32768x16xf32, #tpu.memory_space<hbm>> -> memref<32768x16xf32, #tpu.memory_space<hbm>>
    tpu.enqueue_indirect_dma source(%dma_start3A_31 : memref<32768x16xf32, #tpu.memory_space<hbm>>) target(%dma_start3A_25 : memref<128x16xf32, #tpu.memory_space<vmem>>) offsets(%dma_start3A_28 : memref<128xi32, #tpu.memory_space<vmem>>) semaphore(%arg7 : memref<!tpu.dma_semaphore, #tpu.memory_space<semaphore_mem>>)
    %dma_start3A_32 = arith.constant 3 : i32
    %dma_start3A_33 = arith.constant 384 : i32
    %dma_start3A_34 = arith.constant 0 : i32
    %dma_start3A_35 = tpu.memref_slice %arg6[%dma_start3A_33, %dma_start3A_34] : memref<2048x16xf32, #tpu.memory_space<vmem>> -> memref<128x16xf32, #tpu.memory_space<vmem>>
    %dma_start3A_36 = arith.constant 0 : i32
    %dma_start3A_37 = tpu.memref_slice %arg5[%dma_start3A_32, %dma_start3A_36] : memref<16x128xi32, #tpu.memory_space<vmem>> -> memref<1x128xi32, #tpu.memory_space<vmem>>
    %dma_start3A_38 = tpu.memref_squeeze %dma_start3A_37 : memref<1x128xi32, #tpu.memory_space<vmem>> -> memref<128xi32, #tpu.memory_space<vmem>>
    %dma_start3A_39 = arith.constant 0 : i32
    %dma_start3A_40 = arith.constant 0 : i32
    %dma_start3A_41 = tpu.memref_slice %arg2[%dma_start3A_39, %dma_start3A_40] : memref<32768x16xf32, #tpu.memory_space<hbm>> -> memref<32768x16xf32, #tpu.memory_space<hbm>>
    tpu.enqueue_indirect_dma source(%dma_start3A_41 : memref<32768x16xf32, #tpu.memory_space<hbm>>) target(%dma_start3A_35 : memref<128x16xf32, #tpu.memory_space<vmem>>) offsets(%dma_start3A_38 : memref<128xi32, #tpu.memory_space<vmem>>) semaphore(%arg7 : memref<!tpu.dma_semaphore, #tpu.memory_space<semaphore_mem>>)
    %dma_start3A_42 = arith.constant 4 : i32
    %dma_start3A_43 = arith.constant 512 : i32
    %dma_start3A_44 = arith.constant 0 : i32
    %dma_start3A_45 = tpu.memref_slice %arg6[%dma_start3A_43, %dma_start3A_44] : memref<2048x16xf32, #tpu.memory_space<vmem>> -> memref<128x16xf32, #tpu.memory_space<vmem>>
    %dma_start3A_46 = arith.constant 0 : i32
    %dma_start3A_47 = tpu.memref_slice %arg5[%dma_start3A_42, %dma_start3A_46] : memref<16x128xi32, #tpu.memory_space<vmem>> -> memref<1x128xi32, #tpu.memory_space<vmem>>
    %dma_start3A_48 = tpu.memref_squeeze %dma_start3A_47 : memref<1x128xi32, #tpu.memory_space<vmem>> -> memref<128xi32, #tpu.memory_space<vmem>>
    %dma_start3A_49 = arith.constant 0 : i32
    %dma_start3A_50 = arith.constant 0 : i32
    %dma_start3A_51 = tpu.memref_slice %arg2[%dma_start3A_49, %dma_start3A_50] : memref<32768x16xf32, #tpu.memory_space<hbm>> -> memref<32768x16xf32, #tpu.memory_space<hbm>>
    tpu.enqueue_indirect_dma source(%dma_start3A_51 : memref<32768x16xf32, #tpu.memory_space<hbm>>) target(%dma_start3A_45 : memref<128x16xf32, #tpu.memory_space<vmem>>) offsets(%dma_start3A_48 : memref<128xi32, #tpu.memory_space<vmem>>) semaphore(%arg7 : memref<!tpu.dma_semaphore, #tpu.memory_space<semaphore_mem>>)
    %dma_start3A_52 = arith.constant 5 : i32
    %dma_start3A_53 = arith.constant 640 : i32
    %dma_start3A_54 = arith.constant 0 : i32
    %dma_start3A_55 = tpu.memref_slice %arg6[%dma_start3A_53, %dma_start3A_54] : memref<2048x16xf32, #tpu.memory_space<vmem>> -> memref<128x16xf32, #tpu.memory_space<vmem>>
    %dma_start3A_56 = arith.constant 0 : i32
    %dma_start3A_57 = tpu.memref_slice %arg5[%dma_start3A_52, %dma_start3A_56] : memref<16x128xi32, #tpu.memory_space<vmem>> -> memref<1x128xi32, #tpu.memory_space<vmem>>
    %dma_start3A_58 = tpu.memref_squeeze %dma_start3A_57 : memref<1x128xi32, #tpu.memory_space<vmem>> -> memref<128xi32, #tpu.memory_space<vmem>>
    %dma_start3A_59 = arith.constant 0 : i32
    %dma_start3A_60 = arith.constant 0 : i32
    %dma_start3A_61 = tpu.memref_slice %arg2[%dma_start3A_59, %dma_start3A_60] : memref<32768x16xf32, #tpu.memory_space<hbm>> -> memref<32768x16xf32, #tpu.memory_space<hbm>>
    tpu.enqueue_indirect_dma source(%dma_start3A_61 : memref<32768x16xf32, #tpu.memory_space<hbm>>) target(%dma_start3A_55 : memref<128x16xf32, #tpu.memory_space<vmem>>) offsets(%dma_start3A_58 : memref<128xi32, #tpu.memory_space<vmem>>) semaphore(%arg7 : memref<!tpu.dma_semaphore, #tpu.memory_space<semaphore_mem>>)
    %dma_start3A_62 = arith.constant 6 : i32
    %dma_start3A_63 = arith.constant 768 : i32
    %dma_start3A_64 = arith.constant 0 : i32
    %dma_start3A_65 = tpu.memref_slice %arg6[%dma_start3A_63, %dma_start3A_64] : memref<2048x16xf32, #tpu.memory_space<vmem>> -> memref<128x16xf32, #tpu.memory_space<vmem>>
    %dma_start3A_66 = arith.constant 0 : i32
    %dma_start3A_67 = tpu.memref_slice %arg5[%dma_start3A_62, %dma_start3A_66] : memref<16x128xi32, #tpu.memory_space<vmem>> -> memref<1x128xi32, #tpu.memory_space<vmem>>
    %dma_start3A_68 = tpu.memref_squeeze %dma_start3A_67 : memref<1x128xi32, #tpu.memory_space<vmem>> -> memref<128xi32, #tpu.memory_space<vmem>>
    %dma_start3A_69 = arith.constant 0 : i32
    %dma_start3A_70 = arith.constant 0 : i32
    %dma_start3A_71 = tpu.memref_slice %arg2[%dma_start3A_69, %dma_start3A_70] : memref<32768x16xf32, #tpu.memory_space<hbm>> -> memref<32768x16xf32, #tpu.memory_space<hbm>>
    tpu.enqueue_indirect_dma source(%dma_start3A_71 : memref<32768x16xf32, #tpu.memory_space<hbm>>) target(%dma_start3A_65 : memref<128x16xf32, #tpu.memory_space<vmem>>) offsets(%dma_start3A_68 : memref<128xi32, #tpu.memory_space<vmem>>) semaphore(%arg7 : memref<!tpu.dma_semaphore, #tpu.memory_space<semaphore_mem>>)
    %dma_start3A_72 = arith.constant 7 : i32
    %dma_start3A_73 = arith.constant 896 : i32
    %dma_start3A_74 = arith.constant 0 : i32
    %dma_start3A_75 = tpu.memref_slice %arg6[%dma_start3A_73, %dma_start3A_74] : memref<2048x16xf32, #tpu.memory_space<vmem>> -> memref<128x16xf32, #tpu.memory_space<vmem>>
    %dma_start3A_76 = arith.constant 0 : i32
    %dma_start3A_77 = tpu.memref_slice %arg5[%dma_start3A_72, %dma_start3A_76] : memref<16x128xi32, #tpu.memory_space<vmem>> -> memref<1x128xi32, #tpu.memory_space<vmem>>
    %dma_start3A_78 = tpu.memref_squeeze %dma_start3A_77 : memref<1x128xi32, #tpu.memory_space<vmem>> -> memref<128xi32, #tpu.memory_space<vmem>>
    %dma_start3A_79 = arith.constant 0 : i32
    %dma_start3A_80 = arith.constant 0 : i32
    %dma_start3A_81 = tpu.memref_slice %arg2[%dma_start3A_79, %dma_start3A_80] : memref<32768x16xf32, #tpu.memory_space<hbm>> -> memref<32768x16xf32, #tpu.memory_space<hbm>>
    tpu.enqueue_indirect_dma source(%dma_start3A_81 : memref<32768x16xf32, #tpu.memory_space<hbm>>) target(%dma_start3A_75 : memref<128x16xf32, #tpu.memory_space<vmem>>) offsets(%dma_start3A_78 : memref<128xi32, #tpu.memory_space<vmem>>) semaphore(%arg7 : memref<!tpu.dma_semaphore, #tpu.memory_space<semaphore_mem>>)
    %dma_start3A_82 = arith.constant 8 : i32
    %dma_start3A_83 = arith.constant 1024 : i32
    %dma_start3A_84 = arith.constant 0 : i32
    %dma_start3A_85 = tpu.memref_slice %arg6[%dma_start3A_83, %dma_start3A_84] : memref<2048x16xf32, #tpu.memory_space<vmem>> -> memref<128x16xf32, #tpu.memory_space<vmem>>
    %dma_start3A_86 = arith.constant 0 : i32
    %dma_start3A_87 = tpu.memref_slice %arg5[%dma_start3A_82, %dma_start3A_86] : memref<16x128xi32, #tpu.memory_space<vmem>> -> memref<1x128xi32, #tpu.memory_space<vmem>>
    %dma_start3A_88 = tpu.memref_squeeze %dma_start3A_87 : memref<1x128xi32, #tpu.memory_space<vmem>> -> memref<128xi32, #tpu.memory_space<vmem>>
    %dma_start3A_89 = arith.constant 0 : i32
    %dma_start3A_90 = arith.constant 0 : i32
    %dma_start3A_91 = tpu.memref_slice %arg2[%dma_start3A_89, %dma_start3A_90] : memref<32768x16xf32, #tpu.memory_space<hbm>> -> memref<32768x16xf32, #tpu.memory_space<hbm>>
    tpu.enqueue_indirect_dma source(%dma_start3A_91 : memref<32768x16xf32, #tpu.memory_space<hbm>>) target(%dma_start3A_85 : memref<128x16xf32, #tpu.memory_space<vmem>>) offsets(%dma_start3A_88 : memref<128xi32, #tpu.memory_space<vmem>>) semaphore(%arg7 : memref<!tpu.dma_semaphore, #tpu.memory_space<semaphore_mem>>)
    %dma_start3A_92 = arith.constant 9 : i32
    %dma_start3A_93 = arith.constant 1152 : i32
    %dma_start3A_94 = arith.constant 0 : i32
    %dma_start3A_95 = tpu.memref_slice %arg6[%dma_start3A_93, %dma_start3A_94] : memref<2048x16xf32, #tpu.memory_space<vmem>> -> memref<128x16xf32, #tpu.memory_space<vmem>>
    %dma_start3A_96 = arith.constant 0 : i32
    %dma_start3A_97 = tpu.memref_slice %arg5[%dma_start3A_92, %dma_start3A_96] : memref<16x128xi32, #tpu.memory_space<vmem>> -> memref<1x128xi32, #tpu.memory_space<vmem>>
    %dma_start3A_98 = tpu.memref_squeeze %dma_start3A_97 : memref<1x128xi32, #tpu.memory_space<vmem>> -> memref<128xi32, #tpu.memory_space<vmem>>
    %dma_start3A_99 = arith.constant 0 : i32
    %dma_start3A_100 = arith.constant 0 : i32
    %dma_start3A_101 = tpu.memref_slice %arg2[%dma_start3A_99, %dma_start3A_100] : memref<32768x16xf32, #tpu.memory_space<hbm>> -> memref<32768x16xf32, #tpu.memory_space<hbm>>
    tpu.enqueue_indirect_dma source(%dma_start3A_101 : memref<32768x16xf32, #tpu.memory_space<hbm>>) target(%dma_start3A_95 : memref<128x16xf32, #tpu.memory_space<vmem>>) offsets(%dma_start3A_98 : memref<128xi32, #tpu.memory_space<vmem>>) semaphore(%arg7 : memref<!tpu.dma_semaphore, #tpu.memory_space<semaphore_mem>>)
    %dma_start3A_102 = arith.constant 10 : i32
    %dma_start3A_103 = arith.constant 1280 : i32
    %dma_start3A_104 = arith.constant 0 : i32
    %dma_start3A_105 = tpu.memref_slice %arg6[%dma_start3A_103, %dma_start3A_104] : memref<2048x16xf32, #tpu.memory_space<vmem>> -> memref<128x16xf32, #tpu.memory_space<vmem>>
    %dma_start3A_106 = arith.constant 0 : i32
    %dma_start3A_107 = tpu.memref_slice %arg5[%dma_start3A_102, %dma_start3A_106] : memref<16x128xi32, #tpu.memory_space<vmem>> -> memref<1x128xi32, #tpu.memory_space<vmem>>
    %dma_start3A_108 = tpu.memref_squeeze %dma_start3A_107 : memref<1x128xi32, #tpu.memory_space<vmem>> -> memref<128xi32, #tpu.memory_space<vmem>>
    %dma_start3A_109 = arith.constant 0 : i32
    %dma_start3A_110 = arith.constant 0 : i32
    %dma_start3A_111 = tpu.memref_slice %arg2[%dma_start3A_109, %dma_start3A_110] : memref<32768x16xf32, #tpu.memory_space<hbm>> -> memref<32768x16xf32, #tpu.memory_space<hbm>>
    tpu.enqueue_indirect_dma source(%dma_start3A_111 : memref<32768x16xf32, #tpu.memory_space<hbm>>) target(%dma_start3A_105 : memref<128x16xf32, #tpu.memory_space<vmem>>) offsets(%dma_start3A_108 : memref<128xi32, #tpu.memory_space<vmem>>) semaphore(%arg7 : memref<!tpu.dma_semaphore, #tpu.memory_space<semaphore_mem>>)
    %dma_start3A_112 = arith.constant 11 : i32
    %dma_start3A_113 = arith.constant 1408 : i32
    %dma_start3A_114 = arith.constant 0 : i32
    %dma_start3A_115 = tpu.memref_slice %arg6[%dma_start3A_113, %dma_start3A_114] : memref<2048x16xf32, #tpu.memory_space<vmem>> -> memref<128x16xf32, #tpu.memory_space<vmem>>
    %dma_start3A_116 = arith.constant 0 : i32
    %dma_start3A_117 = tpu.memref_slice %arg5[%dma_start3A_112, %dma_start3A_116] : memref<16x128xi32, #tpu.memory_space<vmem>> -> memref<1x128xi32, #tpu.memory_space<vmem>>
    %dma_start3A_118 = tpu.memref_squeeze %dma_start3A_117 : memref<1x128xi32, #tpu.memory_space<vmem>> -> memref<128xi32, #tpu.memory_space<vmem>>
    %dma_start3A_119 = arith.constant 0 : i32
    %dma_start3A_120 = arith.constant 0 : i32
    %dma_start3A_121 = tpu.memref_slice %arg2[%dma_start3A_119, %dma_start3A_120] : memref<32768x16xf32, #tpu.memory_space<hbm>> -> memref<32768x16xf32, #tpu.memory_space<hbm>>
    tpu.enqueue_indirect_dma source(%dma_start3A_121 : memref<32768x16xf32, #tpu.memory_space<hbm>>) target(%dma_start3A_115 : memref<128x16xf32, #tpu.memory_space<vmem>>) offsets(%dma_start3A_118 : memref<128xi32, #tpu.memory_space<vmem>>) semaphore(%arg7 : memref<!tpu.dma_semaphore, #tpu.memory_space<semaphore_mem>>)
    %dma_start3A_122 = arith.constant 12 : i32
    %dma_start3A_123 = arith.constant 1536 : i32
    %dma_start3A_124 = arith.constant 0 : i32
    %dma_start3A_125 = tpu.memref_slice %arg6[%dma_start3A_123, %dma_start3A_124] : memref<2048x16xf32, #tpu.memory_space<vmem>> -> memref<128x16xf32, #tpu.memory_space<vmem>>
    %dma_start3A_126 = arith.constant 0 : i32
    %dma_start3A_127 = tpu.memref_slice %arg5[%dma_start3A_122, %dma_start3A_126] : memref<16x128xi32, #tpu.memory_space<vmem>> -> memref<1x128xi32, #tpu.memory_space<vmem>>
    %dma_start3A_128 = tpu.memref_squeeze %dma_start3A_127 : memref<1x128xi32, #tpu.memory_space<vmem>> -> memref<128xi32, #tpu.memory_space<vmem>>
    %dma_start3A_129 = arith.constant 0 : i32
    %dma_start3A_130 = arith.constant 0 : i32
    %dma_start3A_131 = tpu.memref_slice %arg2[%dma_start3A_129, %dma_start3A_130] : memref<32768x16xf32, #tpu.memory_space<hbm>> -> memref<32768x16xf32, #tpu.memory_space<hbm>>
    tpu.enqueue_indirect_dma source(%dma_start3A_131 : memref<32768x16xf32, #tpu.memory_space<hbm>>) target(%dma_start3A_125 : memref<128x16xf32, #tpu.memory_space<vmem>>) offsets(%dma_start3A_128 : memref<128xi32, #tpu.memory_space<vmem>>) semaphore(%arg7 : memref<!tpu.dma_semaphore, #tpu.memory_space<semaphore_mem>>)
    %dma_start3A_132 = arith.constant 13 : i32
    %dma_start3A_133 = arith.constant 1664 : i32
    %dma_start3A_134 = arith.constant 0 : i32
    %dma_start3A_135 = tpu.memref_slice %arg6[%dma_start3A_133, %dma_start3A_134] : memref<2048x16xf32, #tpu.memory_space<vmem>> -> memref<128x16xf32, #tpu.memory_space<vmem>>
    %dma_start3A_136 = arith.constant 0 : i32
    %dma_start3A_137 = tpu.memref_slice %arg5[%dma_start3A_132, %dma_start3A_136] : memref<16x128xi32, #tpu.memory_space<vmem>> -> memref<1x128xi32, #tpu.memory_space<vmem>>
    %dma_start3A_138 = tpu.memref_squeeze %dma_start3A_137 : memref<1x128xi32, #tpu.memory_space<vmem>> -> memref<128xi32, #tpu.memory_space<vmem>>
    %dma_start3A_139 = arith.constant 0 : i32
    %dma_start3A_140 = arith.constant 0 : i32
    %dma_start3A_141 = tpu.memref_slice %arg2[%dma_start3A_139, %dma_start3A_140] : memref<32768x16xf32, #tpu.memory_space<hbm>> -> memref<32768x16xf32, #tpu.memory_space<hbm>>
    tpu.enqueue_indirect_dma source(%dma_start3A_141 : memref<32768x16xf32, #tpu.memory_space<hbm>>) target(%dma_start3A_135 : memref<128x16xf32, #tpu.memory_space<vmem>>) offsets(%dma_start3A_138 : memref<128xi32, #tpu.memory_space<vmem>>) semaphore(%arg7 : memref<!tpu.dma_semaphore, #tpu.memory_space<semaphore_mem>>)
    %dma_start3A_142 = arith.constant 14 : i32
    %dma_start3A_143 = arith.constant 1792 : i32
    %dma_start3A_144 = arith.constant 0 : i32
    %dma_start3A_145 = tpu.memref_slice %arg6[%dma_start3A_143, %dma_start3A_144] : memref<2048x16xf32, #tpu.memory_space<vmem>> -> memref<128x16xf32, #tpu.memory_space<vmem>>
    %dma_start3A_146 = arith.constant 0 : i32
    %dma_start3A_147 = tpu.memref_slice %arg5[%dma_start3A_142, %dma_start3A_146] : memref<16x128xi32, #tpu.memory_space<vmem>> -> memref<1x128xi32, #tpu.memory_space<vmem>>
    %dma_start3A_148 = tpu.memref_squeeze %dma_start3A_147 : memref<1x128xi32, #tpu.memory_space<vmem>> -> memref<128xi32, #tpu.memory_space<vmem>>
    %dma_start3A_149 = arith.constant 0 : i32
    %dma_start3A_150 = arith.constant 0 : i32
    %dma_start3A_151 = tpu.memref_slice %arg2[%dma_start3A_149, %dma_start3A_150] : memref<32768x16xf32, #tpu.memory_space<hbm>> -> memref<32768x16xf32, #tpu.memory_space<hbm>>
    tpu.enqueue_indirect_dma source(%dma_start3A_151 : memref<32768x16xf32, #tpu.memory_space<hbm>>) target(%dma_start3A_145 : memref<128x16xf32, #tpu.memory_space<vmem>>) offsets(%dma_start3A_148 : memref<128xi32, #tpu.memory_space<vmem>>) semaphore(%arg7 : memref<!tpu.dma_semaphore, #tpu.memory_space<semaphore_mem>>)
    %dma_start3A_152 = arith.constant 15 : i32
    %dma_start3A_153 = arith.constant 1920 : i32
    %dma_start3A_154 = arith.constant 0 : i32
    %dma_start3A_155 = tpu.memref_slice %arg6[%dma_start3A_153, %dma_start3A_154] : memref<2048x16xf32, #tpu.memory_space<vmem>> -> memref<128x16xf32, #tpu.memory_space<vmem>>
    %dma_start3A_156 = arith.constant 0 : i32
    %dma_start3A_157 = tpu.memref_slice %arg5[%dma_start3A_152, %dma_start3A_156] : memref<16x128xi32, #tpu.memory_space<vmem>> -> memref<1x128xi32, #tpu.memory_space<vmem>>
    %dma_start3A_158 = tpu.memref_squeeze %dma_start3A_157 : memref<1x128xi32, #tpu.memory_space<vmem>> -> memref<128xi32, #tpu.memory_space<vmem>>
    %dma_start3A_159 = arith.constant 0 : i32
    %dma_start3A_160 = arith.constant 0 : i32
    %dma_start3A_161 = tpu.memref_slice %arg2[%dma_start3A_159, %dma_start3A_160] : memref<32768x16xf32, #tpu.memory_space<hbm>> -> memref<32768x16xf32, #tpu.memory_space<hbm>>
    tpu.enqueue_indirect_dma source(%dma_start3A_161 : memref<32768x16xf32, #tpu.memory_space<hbm>>) target(%dma_start3A_155 : memref<128x16xf32, #tpu.memory_space<vmem>>) offsets(%dma_start3A_158 : memref<128xi32, #tpu.memory_space<vmem>>) semaphore(%arg7 : memref<!tpu.dma_semaphore, #tpu.memory_space<semaphore_mem>>)
    %dma_wait3A = arith.constant 0 : i32
    %dma_wait3A_162 = arith.constant 0 : i32
    %dma_wait3A_163 = arith.constant 0 : i32
    %dma_wait3A_164 = tpu.memref_slice %arg6[%dma_wait3A_162, %dma_wait3A_163] : memref<2048x16xf32, #tpu.memory_space<vmem>> -> memref<128x16xf32, #tpu.memory_space<vmem>>
    %dma_wait3A_165 = arith.constant 0 : i32
    %dma_wait3A_166 = tpu.memref_slice %arg5[%dma_wait3A, %dma_wait3A_165] : memref<16x128xi32, #tpu.memory_space<vmem>> -> memref<1x128xi32, #tpu.memory_space<vmem>>
    %dma_wait3A_167 = tpu.memref_squeeze %dma_wait3A_166 : memref<1x128xi32, #tpu.memory_space<vmem>> -> memref<128xi32, #tpu.memory_space<vmem>>
    %dma_wait3A_168 = arith.constant 0 : i32
    %dma_wait3A_169 = arith.constant 0 : i32
    %dma_wait3A_170 = tpu.memref_slice %arg2[%dma_wait3A_168, %dma_wait3A_169] : memref<32768x16xf32, #tpu.memory_space<hbm>> -> memref<32768x16xf32, #tpu.memory_space<hbm>>
    tpu.wait_indirect_dma semaphore(%arg7 : memref<!tpu.dma_semaphore, #tpu.memory_space<semaphore_mem>>) src(%dma_wait3A_170 : memref<32768x16xf32, #tpu.memory_space<hbm>>) dst(%dma_wait3A_164 : memref<128x16xf32, #tpu.memory_space<vmem>>)
    %dma_wait3A_171 = arith.constant 1 : i32
    %dma_wait3A_172 = arith.constant 128 : i32
    %dma_wait3A_173 = arith.constant 0 : i32
    %dma_wait3A_174 = tpu.memref_slice %arg6[%dma_wait3A_172, %dma_wait3A_173] : memref<2048x16xf32, #tpu.memory_space<vmem>> -> memref<128x16xf32, #tpu.memory_space<vmem>>
    %dma_wait3A_175 = arith.constant 0 : i32
    %dma_wait3A_176 = tpu.memref_slice %arg5[%dma_wait3A_171, %dma_wait3A_175] : memref<16x128xi32, #tpu.memory_space<vmem>> -> memref<1x128xi32, #tpu.memory_space<vmem>>
    %dma_wait3A_177 = tpu.memref_squeeze %dma_wait3A_176 : memref<1x128xi32, #tpu.memory_space<vmem>> -> memref<128xi32, #tpu.memory_space<vmem>>
    %dma_wait3A_178 = arith.constant 0 : i32
    %dma_wait3A_179 = arith.constant 0 : i32
    %dma_wait3A_180 = tpu.memref_slice %arg2[%dma_wait3A_178, %dma_wait3A_179] : memref<32768x16xf32, #tpu.memory_space<hbm>> -> memref<32768x16xf32, #tpu.memory_space<hbm>>
    tpu.wait_indirect_dma semaphore(%arg7 : memref<!tpu.dma_semaphore, #tpu.memory_space<semaphore_mem>>) src(%dma_wait3A_180 : memref<32768x16xf32, #tpu.memory_space<hbm>>) dst(%dma_wait3A_174 : memref<128x16xf32, #tpu.memory_space<vmem>>)
    %dma_wait3A_181 = arith.constant 2 : i32
    %dma_wait3A_182 = arith.constant 256 : i32
    %dma_wait3A_183 = arith.constant 0 : i32
    %dma_wait3A_184 = tpu.memref_slice %arg6[%dma_wait3A_182, %dma_wait3A_183] : memref<2048x16xf32, #tpu.memory_space<vmem>> -> memref<128x16xf32, #tpu.memory_space<vmem>>
    %dma_wait3A_185 = arith.constant 0 : i32
    %dma_wait3A_186 = tpu.memref_slice %arg5[%dma_wait3A_181, %dma_wait3A_185] : memref<16x128xi32, #tpu.memory_space<vmem>> -> memref<1x128xi32, #tpu.memory_space<vmem>>
    %dma_wait3A_187 = tpu.memref_squeeze %dma_wait3A_186 : memref<1x128xi32, #tpu.memory_space<vmem>> -> memref<128xi32, #tpu.memory_space<vmem>>
    %dma_wait3A_188 = arith.constant 0 : i32
    %dma_wait3A_189 = arith.constant 0 : i32
    %dma_wait3A_190 = tpu.memref_slice %arg2[%dma_wait3A_188, %dma_wait3A_189] : memref<32768x16xf32, #tpu.memory_space<hbm>> -> memref<32768x16xf32, #tpu.memory_space<hbm>>
    tpu.wait_indirect_dma semaphore(%arg7 : memref<!tpu.dma_semaphore, #tpu.memory_space<semaphore_mem>>) src(%dma_wait3A_190 : memref<32768x16xf32, #tpu.memory_space<hbm>>) dst(%dma_wait3A_184 : memref<128x16xf32, #tpu.memory_space<vmem>>)
    %dma_wait3A_191 = arith.constant 3 : i32
    %dma_wait3A_192 = arith.constant 384 : i32
    %dma_wait3A_193 = arith.constant 0 : i32
    %dma_wait3A_194 = tpu.memref_slice %arg6[%dma_wait3A_192, %dma_wait3A_193] : memref<2048x16xf32, #tpu.memory_space<vmem>> -> memref<128x16xf32, #tpu.memory_space<vmem>>
    %dma_wait3A_195 = arith.constant 0 : i32
    %dma_wait3A_196 = tpu.memref_slice %arg5[%dma_wait3A_191, %dma_wait3A_195] : memref<16x128xi32, #tpu.memory_space<vmem>> -> memref<1x128xi32, #tpu.memory_space<vmem>>
    %dma_wait3A_197 = tpu.memref_squeeze %dma_wait3A_196 : memref<1x128xi32, #tpu.memory_space<vmem>> -> memref<128xi32, #tpu.memory_space<vmem>>
    %dma_wait3A_198 = arith.constant 0 : i32
    %dma_wait3A_199 = arith.constant 0 : i32
    %dma_wait3A_200 = tpu.memref_slice %arg2[%dma_wait3A_198, %dma_wait3A_199] : memref<32768x16xf32, #tpu.memory_space<hbm>> -> memref<32768x16xf32, #tpu.memory_space<hbm>>
    tpu.wait_indirect_dma semaphore(%arg7 : memref<!tpu.dma_semaphore, #tpu.memory_space<semaphore_mem>>) src(%dma_wait3A_200 : memref<32768x16xf32, #tpu.memory_space<hbm>>) dst(%dma_wait3A_194 : memref<128x16xf32, #tpu.memory_space<vmem>>)
    %dma_wait3A_201 = arith.constant 4 : i32
    %dma_wait3A_202 = arith.constant 512 : i32
    %dma_wait3A_203 = arith.constant 0 : i32
    %dma_wait3A_204 = tpu.memref_slice %arg6[%dma_wait3A_202, %dma_wait3A_203] : memref<2048x16xf32, #tpu.memory_space<vmem>> -> memref<128x16xf32, #tpu.memory_space<vmem>>
    %dma_wait3A_205 = arith.constant 0 : i32
    %dma_wait3A_206 = tpu.memref_slice %arg5[%dma_wait3A_201, %dma_wait3A_205] : memref<16x128xi32, #tpu.memory_space<vmem>> -> memref<1x128xi32, #tpu.memory_space<vmem>>
    %dma_wait3A_207 = tpu.memref_squeeze %dma_wait3A_206 : memref<1x128xi32, #tpu.memory_space<vmem>> -> memref<128xi32, #tpu.memory_space<vmem>>
    %dma_wait3A_208 = arith.constant 0 : i32
    %dma_wait3A_209 = arith.constant 0 : i32
    %dma_wait3A_210 = tpu.memref_slice %arg2[%dma_wait3A_208, %dma_wait3A_209] : memref<32768x16xf32, #tpu.memory_space<hbm>> -> memref<32768x16xf32, #tpu.memory_space<hbm>>
    tpu.wait_indirect_dma semaphore(%arg7 : memref<!tpu.dma_semaphore, #tpu.memory_space<semaphore_mem>>) src(%dma_wait3A_210 : memref<32768x16xf32, #tpu.memory_space<hbm>>) dst(%dma_wait3A_204 : memref<128x16xf32, #tpu.memory_space<vmem>>)
    %dma_wait3A_211 = arith.constant 5 : i32
    %dma_wait3A_212 = arith.constant 640 : i32
    %dma_wait3A_213 = arith.constant 0 : i32
    %dma_wait3A_214 = tpu.memref_slice %arg6[%dma_wait3A_212, %dma_wait3A_213] : memref<2048x16xf32, #tpu.memory_space<vmem>> -> memref<128x16xf32, #tpu.memory_space<vmem>>
    %dma_wait3A_215 = arith.constant 0 : i32
    %dma_wait3A_216 = tpu.memref_slice %arg5[%dma_wait3A_211, %dma_wait3A_215] : memref<16x128xi32, #tpu.memory_space<vmem>> -> memref<1x128xi32, #tpu.memory_space<vmem>>
    %dma_wait3A_217 = tpu.memref_squeeze %dma_wait3A_216 : memref<1x128xi32, #tpu.memory_space<vmem>> -> memref<128xi32, #tpu.memory_space<vmem>>
    %dma_wait3A_218 = arith.constant 0 : i32
    %dma_wait3A_219 = arith.constant 0 : i32
    %dma_wait3A_220 = tpu.memref_slice %arg2[%dma_wait3A_218, %dma_wait3A_219] : memref<32768x16xf32, #tpu.memory_space<hbm>> -> memref<32768x16xf32, #tpu.memory_space<hbm>>
    tpu.wait_indirect_dma semaphore(%arg7 : memref<!tpu.dma_semaphore, #tpu.memory_space<semaphore_mem>>) src(%dma_wait3A_220 : memref<32768x16xf32, #tpu.memory_space<hbm>>) dst(%dma_wait3A_214 : memref<128x16xf32, #tpu.memory_space<vmem>>)
    %dma_wait3A_221 = arith.constant 6 : i32
    %dma_wait3A_222 = arith.constant 768 : i32
    %dma_wait3A_223 = arith.constant 0 : i32
    %dma_wait3A_224 = tpu.memref_slice %arg6[%dma_wait3A_222, %dma_wait3A_223] : memref<2048x16xf32, #tpu.memory_space<vmem>> -> memref<128x16xf32, #tpu.memory_space<vmem>>
    %dma_wait3A_225 = arith.constant 0 : i32
    %dma_wait3A_226 = tpu.memref_slice %arg5[%dma_wait3A_221, %dma_wait3A_225] : memref<16x128xi32, #tpu.memory_space<vmem>> -> memref<1x128xi32, #tpu.memory_space<vmem>>
    %dma_wait3A_227 = tpu.memref_squeeze %dma_wait3A_226 : memref<1x128xi32, #tpu.memory_space<vmem>> -> memref<128xi32, #tpu.memory_space<vmem>>
    %dma_wait3A_228 = arith.constant 0 : i32
    %dma_wait3A_229 = arith.constant 0 : i32
    %dma_wait3A_230 = tpu.memref_slice %arg2[%dma_wait3A_228, %dma_wait3A_229] : memref<32768x16xf32, #tpu.memory_space<hbm>> -> memref<32768x16xf32, #tpu.memory_space<hbm>>
    tpu.wait_indirect_dma semaphore(%arg7 : memref<!tpu.dma_semaphore, #tpu.memory_space<semaphore_mem>>) src(%dma_wait3A_230 : memref<32768x16xf32, #tpu.memory_space<hbm>>) dst(%dma_wait3A_224 : memref<128x16xf32, #tpu.memory_space<vmem>>)
    %dma_wait3A_231 = arith.constant 7 : i32
    %dma_wait3A_232 = arith.constant 896 : i32
    %dma_wait3A_233 = arith.constant 0 : i32
    %dma_wait3A_234 = tpu.memref_slice %arg6[%dma_wait3A_232, %dma_wait3A_233] : memref<2048x16xf32, #tpu.memory_space<vmem>> -> memref<128x16xf32, #tpu.memory_space<vmem>>
    %dma_wait3A_235 = arith.constant 0 : i32
    %dma_wait3A_236 = tpu.memref_slice %arg5[%dma_wait3A_231, %dma_wait3A_235] : memref<16x128xi32, #tpu.memory_space<vmem>> -> memref<1x128xi32, #tpu.memory_space<vmem>>
    %dma_wait3A_237 = tpu.memref_squeeze %dma_wait3A_236 : memref<1x128xi32, #tpu.memory_space<vmem>> -> memref<128xi32, #tpu.memory_space<vmem>>
    %dma_wait3A_238 = arith.constant 0 : i32
    %dma_wait3A_239 = arith.constant 0 : i32
    %dma_wait3A_240 = tpu.memref_slice %arg2[%dma_wait3A_238, %dma_wait3A_239] : memref<32768x16xf32, #tpu.memory_space<hbm>> -> memref<32768x16xf32, #tpu.memory_space<hbm>>
    tpu.wait_indirect_dma semaphore(%arg7 : memref<!tpu.dma_semaphore, #tpu.memory_space<semaphore_mem>>) src(%dma_wait3A_240 : memref<32768x16xf32, #tpu.memory_space<hbm>>) dst(%dma_wait3A_234 : memref<128x16xf32, #tpu.memory_space<vmem>>)
    %dma_wait3A_241 = arith.constant 8 : i32
    %dma_wait3A_242 = arith.constant 1024 : i32
    %dma_wait3A_243 = arith.constant 0 : i32
    %dma_wait3A_244 = tpu.memref_slice %arg6[%dma_wait3A_242, %dma_wait3A_243] : memref<2048x16xf32, #tpu.memory_space<vmem>> -> memref<128x16xf32, #tpu.memory_space<vmem>>
    %dma_wait3A_245 = arith.constant 0 : i32
    %dma_wait3A_246 = tpu.memref_slice %arg5[%dma_wait3A_241, %dma_wait3A_245] : memref<16x128xi32, #tpu.memory_space<vmem>> -> memref<1x128xi32, #tpu.memory_space<vmem>>
    %dma_wait3A_247 = tpu.memref_squeeze %dma_wait3A_246 : memref<1x128xi32, #tpu.memory_space<vmem>> -> memref<128xi32, #tpu.memory_space<vmem>>
    %dma_wait3A_248 = arith.constant 0 : i32
    %dma_wait3A_249 = arith.constant 0 : i32
    %dma_wait3A_250 = tpu.memref_slice %arg2[%dma_wait3A_248, %dma_wait3A_249] : memref<32768x16xf32, #tpu.memory_space<hbm>> -> memref<32768x16xf32, #tpu.memory_space<hbm>>
    tpu.wait_indirect_dma semaphore(%arg7 : memref<!tpu.dma_semaphore, #tpu.memory_space<semaphore_mem>>) src(%dma_wait3A_250 : memref<32768x16xf32, #tpu.memory_space<hbm>>) dst(%dma_wait3A_244 : memref<128x16xf32, #tpu.memory_space<vmem>>)
    %dma_wait3A_251 = arith.constant 9 : i32
    %dma_wait3A_252 = arith.constant 1152 : i32
    %dma_wait3A_253 = arith.constant 0 : i32
    %dma_wait3A_254 = tpu.memref_slice %arg6[%dma_wait3A_252, %dma_wait3A_253] : memref<2048x16xf32, #tpu.memory_space<vmem>> -> memref<128x16xf32, #tpu.memory_space<vmem>>
    %dma_wait3A_255 = arith.constant 0 : i32
    %dma_wait3A_256 = tpu.memref_slice %arg5[%dma_wait3A_251, %dma_wait3A_255] : memref<16x128xi32, #tpu.memory_space<vmem>> -> memref<1x128xi32, #tpu.memory_space<vmem>>
    %dma_wait3A_257 = tpu.memref_squeeze %dma_wait3A_256 : memref<1x128xi32, #tpu.memory_space<vmem>> -> memref<128xi32, #tpu.memory_space<vmem>>
    %dma_wait3A_258 = arith.constant 0 : i32
    %dma_wait3A_259 = arith.constant 0 : i32
    %dma_wait3A_260 = tpu.memref_slice %arg2[%dma_wait3A_258, %dma_wait3A_259] : memref<32768x16xf32, #tpu.memory_space<hbm>> -> memref<32768x16xf32, #tpu.memory_space<hbm>>
    tpu.wait_indirect_dma semaphore(%arg7 : memref<!tpu.dma_semaphore, #tpu.memory_space<semaphore_mem>>) src(%dma_wait3A_260 : memref<32768x16xf32, #tpu.memory_space<hbm>>) dst(%dma_wait3A_254 : memref<128x16xf32, #tpu.memory_space<vmem>>)
    %dma_wait3A_261 = arith.constant 10 : i32
    %dma_wait3A_262 = arith.constant 1280 : i32
    %dma_wait3A_263 = arith.constant 0 : i32
    %dma_wait3A_264 = tpu.memref_slice %arg6[%dma_wait3A_262, %dma_wait3A_263] : memref<2048x16xf32, #tpu.memory_space<vmem>> -> memref<128x16xf32, #tpu.memory_space<vmem>>
    %dma_wait3A_265 = arith.constant 0 : i32
    %dma_wait3A_266 = tpu.memref_slice %arg5[%dma_wait3A_261, %dma_wait3A_265] : memref<16x128xi32, #tpu.memory_space<vmem>> -> memref<1x128xi32, #tpu.memory_space<vmem>>
    %dma_wait3A_267 = tpu.memref_squeeze %dma_wait3A_266 : memref<1x128xi32, #tpu.memory_space<vmem>> -> memref<128xi32, #tpu.memory_space<vmem>>
    %dma_wait3A_268 = arith.constant 0 : i32
    %dma_wait3A_269 = arith.constant 0 : i32
    %dma_wait3A_270 = tpu.memref_slice %arg2[%dma_wait3A_268, %dma_wait3A_269] : memref<32768x16xf32, #tpu.memory_space<hbm>> -> memref<32768x16xf32, #tpu.memory_space<hbm>>
    tpu.wait_indirect_dma semaphore(%arg7 : memref<!tpu.dma_semaphore, #tpu.memory_space<semaphore_mem>>) src(%dma_wait3A_270 : memref<32768x16xf32, #tpu.memory_space<hbm>>) dst(%dma_wait3A_264 : memref<128x16xf32, #tpu.memory_space<vmem>>)
    %dma_wait3A_271 = arith.constant 11 : i32
    %dma_wait3A_272 = arith.constant 1408 : i32
    %dma_wait3A_273 = arith.constant 0 : i32
    %dma_wait3A_274 = tpu.memref_slice %arg6[%dma_wait3A_272, %dma_wait3A_273] : memref<2048x16xf32, #tpu.memory_space<vmem>> -> memref<128x16xf32, #tpu.memory_space<vmem>>
    %dma_wait3A_275 = arith.constant 0 : i32
    %dma_wait3A_276 = tpu.memref_slice %arg5[%dma_wait3A_271, %dma_wait3A_275] : memref<16x128xi32, #tpu.memory_space<vmem>> -> memref<1x128xi32, #tpu.memory_space<vmem>>
    %dma_wait3A_277 = tpu.memref_squeeze %dma_wait3A_276 : memref<1x128xi32, #tpu.memory_space<vmem>> -> memref<128xi32, #tpu.memory_space<vmem>>
    %dma_wait3A_278 = arith.constant 0 : i32
    %dma_wait3A_279 = arith.constant 0 : i32
    %dma_wait3A_280 = tpu.memref_slice %arg2[%dma_wait3A_278, %dma_wait3A_279] : memref<32768x16xf32, #tpu.memory_space<hbm>> -> memref<32768x16xf32, #tpu.memory_space<hbm>>
    tpu.wait_indirect_dma semaphore(%arg7 : memref<!tpu.dma_semaphore, #tpu.memory_space<semaphore_mem>>) src(%dma_wait3A_280 : memref<32768x16xf32, #tpu.memory_space<hbm>>) dst(%dma_wait3A_274 : memref<128x16xf32, #tpu.memory_space<vmem>>)
    %dma_wait3A_281 = arith.constant 12 : i32
    %dma_wait3A_282 = arith.constant 1536 : i32
    %dma_wait3A_283 = arith.constant 0 : i32
    %dma_wait3A_284 = tpu.memref_slice %arg6[%dma_wait3A_282, %dma_wait3A_283] : memref<2048x16xf32, #tpu.memory_space<vmem>> -> memref<128x16xf32, #tpu.memory_space<vmem>>
    %dma_wait3A_285 = arith.constant 0 : i32
    %dma_wait3A_286 = tpu.memref_slice %arg5[%dma_wait3A_281, %dma_wait3A_285] : memref<16x128xi32, #tpu.memory_space<vmem>> -> memref<1x128xi32, #tpu.memory_space<vmem>>
    %dma_wait3A_287 = tpu.memref_squeeze %dma_wait3A_286 : memref<1x128xi32, #tpu.memory_space<vmem>> -> memref<128xi32, #tpu.memory_space<vmem>>
    %dma_wait3A_288 = arith.constant 0 : i32
    %dma_wait3A_289 = arith.constant 0 : i32
    %dma_wait3A_290 = tpu.memref_slice %arg2[%dma_wait3A_288, %dma_wait3A_289] : memref<32768x16xf32, #tpu.memory_space<hbm>> -> memref<32768x16xf32, #tpu.memory_space<hbm>>
    tpu.wait_indirect_dma semaphore(%arg7 : memref<!tpu.dma_semaphore, #tpu.memory_space<semaphore_mem>>) src(%dma_wait3A_290 : memref<32768x16xf32, #tpu.memory_space<hbm>>) dst(%dma_wait3A_284 : memref<128x16xf32, #tpu.memory_space<vmem>>)
    %dma_wait3A_291 = arith.constant 13 : i32
    %dma_wait3A_292 = arith.constant 1664 : i32
    %dma_wait3A_293 = arith.constant 0 : i32
    %dma_wait3A_294 = tpu.memref_slice %arg6[%dma_wait3A_292, %dma_wait3A_293] : memref<2048x16xf32, #tpu.memory_space<vmem>> -> memref<128x16xf32, #tpu.memory_space<vmem>>
    %dma_wait3A_295 = arith.constant 0 : i32
    %dma_wait3A_296 = tpu.memref_slice %arg5[%dma_wait3A_291, %dma_wait3A_295] : memref<16x128xi32, #tpu.memory_space<vmem>> -> memref<1x128xi32, #tpu.memory_space<vmem>>
    %dma_wait3A_297 = tpu.memref_squeeze %dma_wait3A_296 : memref<1x128xi32, #tpu.memory_space<vmem>> -> memref<128xi32, #tpu.memory_space<vmem>>
    %dma_wait3A_298 = arith.constant 0 : i32
    %dma_wait3A_299 = arith.constant 0 : i32
    %dma_wait3A_300 = tpu.memref_slice %arg2[%dma_wait3A_298, %dma_wait3A_299] : memref<32768x16xf32, #tpu.memory_space<hbm>> -> memref<32768x16xf32, #tpu.memory_space<hbm>>
    tpu.wait_indirect_dma semaphore(%arg7 : memref<!tpu.dma_semaphore, #tpu.memory_space<semaphore_mem>>) src(%dma_wait3A_300 : memref<32768x16xf32, #tpu.memory_space<hbm>>) dst(%dma_wait3A_294 : memref<128x16xf32, #tpu.memory_space<vmem>>)
    %dma_wait3A_301 = arith.constant 14 : i32
    %dma_wait3A_302 = arith.constant 1792 : i32
    %dma_wait3A_303 = arith.constant 0 : i32
    %dma_wait3A_304 = tpu.memref_slice %arg6[%dma_wait3A_302, %dma_wait3A_303] : memref<2048x16xf32, #tpu.memory_space<vmem>> -> memref<128x16xf32, #tpu.memory_space<vmem>>
    %dma_wait3A_305 = arith.constant 0 : i32
    %dma_wait3A_306 = tpu.memref_slice %arg5[%dma_wait3A_301, %dma_wait3A_305] : memref<16x128xi32, #tpu.memory_space<vmem>> -> memref<1x128xi32, #tpu.memory_space<vmem>>
    %dma_wait3A_307 = tpu.memref_squeeze %dma_wait3A_306 : memref<1x128xi32, #tpu.memory_space<vmem>> -> memref<128xi32, #tpu.memory_space<vmem>>
    %dma_wait3A_308 = arith.constant 0 : i32
    %dma_wait3A_309 = arith.constant 0 : i32
    %dma_wait3A_310 = tpu.memref_slice %arg2[%dma_wait3A_308, %dma_wait3A_309] : memref<32768x16xf32, #tpu.memory_space<hbm>> -> memref<32768x16xf32, #tpu.memory_space<hbm>>
    tpu.wait_indirect_dma semaphore(%arg7 : memref<!tpu.dma_semaphore, #tpu.memory_space<semaphore_mem>>) src(%dma_wait3A_310 : memref<32768x16xf32, #tpu.memory_space<hbm>>) dst(%dma_wait3A_304 : memref<128x16xf32, #tpu.memory_space<vmem>>)
    %dma_wait3A_311 = arith.constant 15 : i32
    %dma_wait3A_312 = arith.constant 1920 : i32
    %dma_wait3A_313 = arith.constant 0 : i32
    %dma_wait3A_314 = tpu.memref_slice %arg6[%dma_wait3A_312, %dma_wait3A_313] : memref<2048x16xf32, #tpu.memory_space<vmem>> -> memref<128x16xf32, #tpu.memory_space<vmem>>
    %dma_wait3A_315 = arith.constant 0 : i32
    %dma_wait3A_316 = tpu.memref_slice %arg5[%dma_wait3A_311, %dma_wait3A_315] : memref<16x128xi32, #tpu.memory_space<vmem>> -> memref<1x128xi32, #tpu.memory_space<vmem>>
    %dma_wait3A_317 = tpu.memref_squeeze %dma_wait3A_316 : memref<1x128xi32, #tpu.memory_space<vmem>> -> memref<128xi32, #tpu.memory_space<vmem>>
    %dma_wait3A_318 = arith.constant 0 : i32
    %dma_wait3A_319 = arith.constant 0 : i32
    %dma_wait3A_320 = tpu.memref_slice %arg2[%dma_wait3A_318, %dma_wait3A_319] : memref<32768x16xf32, #tpu.memory_space<hbm>> -> memref<32768x16xf32, #tpu.memory_space<hbm>>
    tpu.wait_indirect_dma semaphore(%arg7 : memref<!tpu.dma_semaphore, #tpu.memory_space<semaphore_mem>>) src(%dma_wait3A_320 : memref<32768x16xf32, #tpu.memory_space<hbm>>) dst(%dma_wait3A_314 : memref<128x16xf32, #tpu.memory_space<vmem>>)
    %mul3A_321 = arith.constant 2048 : i32
    %mul3A_322 = arith.muli %add3A, %mul3A_321 : i32
    "tpu.region"() ({
      %run_scoped3A = tpu.sem_alloc : memref<!tpu.dma_semaphore, #tpu.memory_space<semaphore_mem>>
      %dma_start3A_323 = arith.constant 0 : i32
      %dma_start3A_324 = tpu.memref_slice %arg4[%mul3A_322, %dma_start3A_323] : memref<65536x16xf32, #tpu.memory_space<hbm>> -> memref<2048x16xf32, #tpu.memory_space<hbm>>
      %dma_start3A_325 = arith.constant 0 : i32
      %dma_start3A_326 = tpu.memref_slice %arg4[%mul3A_322, %dma_start3A_325] : memref<65536x16xf32, #tpu.memory_space<hbm>> -> memref<2048x16xf32, #tpu.memory_space<hbm>>
      tpu.enqueue_dma source(%arg6 : memref<2048x16xf32, #tpu.memory_space<vmem>>) target(%dma_start3A_326 : memref<2048x16xf32, #tpu.memory_space<hbm>>) target_semaphore(%run_scoped3A : memref<!tpu.dma_semaphore, #tpu.memory_space<semaphore_mem>>)
      %dma_wait3A_327 = arith.constant 0 : i32
      %dma_wait3A_328 = tpu.memref_slice %arg4[%mul3A_322, %dma_wait3A_327] : memref<65536x16xf32, #tpu.memory_space<hbm>> -> memref<2048x16xf32, #tpu.memory_space<hbm>>
      %dma_wait3A_329 = arith.constant 0 : i32
      %dma_wait3A_330 = tpu.memref_slice %arg4[%mul3A_322, %dma_wait3A_329] : memref<65536x16xf32, #tpu.memory_space<hbm>> -> memref<2048x16xf32, #tpu.memory_space<hbm>>
      tpu.wait_dma2 semaphore(%run_scoped3A : memref<!tpu.dma_semaphore, #tpu.memory_space<semaphore_mem>>) src(%arg6 : memref<2048x16xf32, #tpu.memory_space<vmem>>) dst(%dma_wait3A_330 : memref<2048x16xf32, #tpu.memory_space<hbm>>)
      tpu.yield
    }) : () -> ()
    return
  }
}

module attributes {stable_mosaic.version = 14 : i64} {
  func.func @_stage_a_body(%arg0: i32, %arg1: i32, %arg2: memref<1x3x8192xf32, #tpu.memory_space<vmem>>, %arg3: memref<1x128x1xi32, #tpu.memory_space<vmem>>) attributes {dimension_semantics = [#tpu.dimension_semantics<arbitrary>, #tpu.dimension_semantics<arbitrary>], iteration_bounds = array<i64: 4, 8>, scalar_prefetch = 0 : i64, scratch_operands = 0 : i64, tpu.core_type = #tpu.core_type<tc>, window_params = [{transform_indices = @transform_0, window_bounds = array<i64: 1, 3, 8192>}, {transform_indices = @transform_1, window_bounds = array<i64: 1, 128, 1>}]} {
    %get3A = arith.constant 0 : index
    %get3A_0 = arith.constant 0 : index
    %get3A_1 = arith.constant 0 : index
    %get3A_2 = vector.load %arg2[%get3A, %get3A_0, %get3A_1] : memref<1x3x8192xf32, #tpu.memory_space<vmem>>, vector<1x3x8192xf32>
    %get3A_3 = vector.shape_cast %get3A_2 : vector<1x3x8192xf32> to vector<3x8192xf32>
    %slice3A = vector.extract_strided_slice %get3A_3 {offsets = [0, 0], sizes = [2, 8192], strides = [1, 1]} : vector<3x8192xf32> to vector<2x8192xf32>
    %slice3A_4 = vector.extract_strided_slice %get3A_3 {offsets = [0, 0], sizes = [1, 8192], strides = [1, 1]} : vector<3x8192xf32> to vector<1x8192xf32>
    %reduce_min3A = vector.shape_cast %slice3A_4 : vector<1x8192xf32> to vector<1x1x8192xf32>
    %reduce_min3A_5 = arith.constant dense<0x7F800000> : vector<1xf32>
    %reduce_min3A_6 = vector.multi_reduction <minimumf>, %reduce_min3A, %reduce_min3A_5 [1, 2] : vector<1x1x8192xf32> to vector<1xf32>
    %reduce_min3A_7 = vector.shape_cast %reduce_min3A_6 : vector<1xf32> to vector<1x1x1xf32>
    %reduce_min3A_8 = vector.extract %reduce_min3A_7[0, 0, 0] : f32 from vector<1x1x1xf32>
    %slice3A_9 = vector.extract_strided_slice %get3A_3 {offsets = [0, 0], sizes = [1, 8192], strides = [1, 1]} : vector<3x8192xf32> to vector<1x8192xf32>
    %reduce_max3A = vector.shape_cast %slice3A_9 : vector<1x8192xf32> to vector<1x1x8192xf32>
    %reduce_max3A_10 = arith.constant dense<0xFF800000> : vector<1xf32>
    %reduce_max3A_11 = vector.multi_reduction <maximumf>, %reduce_max3A, %reduce_max3A_10 [1, 2] : vector<1x1x8192xf32> to vector<1xf32>
    %reduce_max3A_12 = vector.shape_cast %reduce_max3A_11 : vector<1xf32> to vector<1x1x1xf32>
    %reduce_max3A_13 = vector.extract %reduce_max3A_12[0, 0, 0] : f32 from vector<1x1x1xf32>
    %slice3A_14 = vector.extract_strided_slice %get3A_3 {offsets = [1, 0], sizes = [1, 8192], strides = [1, 1]} : vector<3x8192xf32> to vector<1x8192xf32>
    %reduce_min3A_15 = vector.shape_cast %slice3A_14 : vector<1x8192xf32> to vector<1x1x8192xf32>
    %reduce_min3A_16 = arith.constant dense<0x7F800000> : vector<1xf32>
    %reduce_min3A_17 = vector.multi_reduction <minimumf>, %reduce_min3A_15, %reduce_min3A_16 [1, 2] : vector<1x1x8192xf32> to vector<1xf32>
    %reduce_min3A_18 = vector.shape_cast %reduce_min3A_17 : vector<1xf32> to vector<1x1x1xf32>
    %reduce_min3A_19 = vector.extract %reduce_min3A_18[0, 0, 0] : f32 from vector<1x1x1xf32>
    %slice3A_20 = vector.extract_strided_slice %get3A_3 {offsets = [1, 0], sizes = [1, 8192], strides = [1, 1]} : vector<3x8192xf32> to vector<1x8192xf32>
    %reduce_max3A_21 = vector.shape_cast %slice3A_20 : vector<1x8192xf32> to vector<1x1x8192xf32>
    %reduce_max3A_22 = arith.constant dense<0xFF800000> : vector<1xf32>
    %reduce_max3A_23 = vector.multi_reduction <maximumf>, %reduce_max3A_21, %reduce_max3A_22 [1, 2] : vector<1x1x8192xf32> to vector<1xf32>
    %reduce_max3A_24 = vector.shape_cast %reduce_max3A_23 : vector<1xf32> to vector<1x1x1xf32>
    %reduce_max3A_25 = vector.extract %reduce_max3A_24[0, 0, 0] : f32 from vector<1x1x1xf32>
    %iota3A = tpu.iota {dimensions = array<i32: 0>} : vector<128x2xi32>
    %mul3A = arith.constant 128 : i32
    %mul3A_26 = arith.muli %arg1, %mul3A : i32
    %add3A = vector.broadcast %mul3A_26 : i32 to vector<128x2xi32>
    %add3A_27 = arith.addi %iota3A, %add3A : vector<128x2xi32>
    %iota3A_28 = tpu.iota {dimensions = array<i32: 1>} : vector<128x2xi32>
    %eq3A = arith.constant 0 : i32
    %eq3A_29 = vector.broadcast %eq3A : i32 to vector<128x2xi32>
    %eq3A_30 = arith.cmpi eq, %iota3A_28, %eq3A_29 : vector<128x2xi32>
    %jit3A = arith.constant 32 : i32
    %eq3A_31 = arith.constant 0 : i32
    %eq3A_32 = arith.cmpi eq, %jit3A, %eq3A_31 : i32
    %jit3A_33 = arith.constant 1 : i32
    %select_n3A = arith.select %eq3A_32, %jit3A_33, %jit3A : i32
    %rem3A = vector.broadcast %select_n3A : i32 to vector<128x2xi32>
    %rem3A_34 = arith.remsi %add3A_27, %rem3A : vector<128x2xi32>
    %ne3A = arith.constant 0 : i32
    %ne3A_35 = vector.broadcast %ne3A : i32 to vector<128x2xi32>
    %ne3A_36 = arith.cmpi ne, %rem3A_34, %ne3A_35 : vector<128x2xi32>
    %lt3A = arith.constant 0 : i32
    %lt3A_37 = vector.broadcast %lt3A : i32 to vector<128x2xi32>
    %lt3A_38 = arith.cmpi slt, %rem3A_34, %lt3A_37 : vector<128x2xi32>
    %lt3A_39 = arith.constant 0 : i32
    %lt3A_40 = arith.cmpi slt, %select_n3A, %lt3A_39 : i32
    %ne3A_41 = vector.broadcast %lt3A_40 : i1 to vector<128x2xi1>
    %ne3A_42 = vector.broadcast %ne3A_41 : vector<128x2xi1> to vector<128x2xi1>
    %ne3A_43 = arith.xori %lt3A_38, %ne3A_42 : vector<128x2xi1>
    %and3A = arith.andi %ne3A_43, %ne3A_36 : vector<128x2xi1>
    %add3A_44 = vector.broadcast %select_n3A : i32 to vector<128x2xi32>
    %add3A_45 = arith.addi %rem3A_34, %add3A_44 : vector<128x2xi32>
    %select_n3A_46 = arith.select %and3A, %add3A_45, %rem3A_34 : vector<128x2xi1>, vector<128x2xi32>
    %jit3A_47 = arith.constant 32 : i32
    %div3A = vector.broadcast %jit3A_47 : i32 to vector<128x2xi32>
    %div3A_48 = arith.divsi %add3A_27, %div3A : vector<128x2xi32>
    %sign3A = arith.constant 0 : i32
    %sign3A_49 = vector.broadcast %sign3A : i32 to vector<128x2xi32>
    %sign3A_50 = arith.cmpi sgt, %add3A_27, %sign3A_49 : vector<128x2xi32>
    %sign3A_51 = arith.extui %sign3A_50 : vector<128x2xi1> to vector<128x2xi32>
    %sign3A_52 = arith.constant 0 : i32
    %sign3A_53 = vector.broadcast %sign3A_52 : i32 to vector<128x2xi32>
    %sign3A_54 = arith.cmpi slt, %add3A_27, %sign3A_53 : vector<128x2xi32>
    %sign3A_55 = arith.extui %sign3A_54 : vector<128x2xi1> to vector<128x2xi32>
    %sign3A_56 = arith.subi %sign3A_51, %sign3A_55 : vector<128x2xi32>
    %sign3A_57 = arith.constant 0 : i32
    %sign3A_58 = arith.cmpi sgt, %jit3A_47, %sign3A_57 : i32
    %sign3A_59 = arith.extui %sign3A_58 : i1 to i32
    %sign3A_60 = arith.constant 0 : i32
    %sign3A_61 = arith.cmpi slt, %jit3A_47, %sign3A_60 : i32
    %sign3A_62 = arith.extui %sign3A_61 : i1 to i32
    %sign3A_63 = arith.subi %sign3A_59, %sign3A_62 : i32
    %ne3A_64 = vector.broadcast %sign3A_63 : i32 to vector<128x2xi32>
    %ne3A_65 = arith.cmpi ne, %sign3A_56, %ne3A_64 : vector<128x2xi32>
    %rem3A_66 = vector.broadcast %jit3A_47 : i32 to vector<128x2xi32>
    %rem3A_67 = arith.remsi %add3A_27, %rem3A_66 : vector<128x2xi32>
    %ne3A_68 = arith.constant 0 : i32
    %ne3A_69 = vector.broadcast %ne3A_68 : i32 to vector<128x2xi32>
    %ne3A_70 = arith.cmpi ne, %rem3A_67, %ne3A_69 : vector<128x2xi32>
    %and3A_71 = arith.andi %ne3A_65, %ne3A_70 : vector<128x2xi1>
    %sub3A = arith.constant 1 : i32
    %sub3A_72 = vector.broadcast %sub3A : i32 to vector<128x2xi32>
    %sub3A_73 = arith.subi %div3A_48, %sub3A_72 : vector<128x2xi32>
    %select_n3A_74 = arith.select %and3A_71, %sub3A_73, %div3A_48 : vector<128x2xi1>, vector<128x2xi32>
    %select_n3A_75 = arith.select %eq3A_30, %select_n3A_46, %select_n3A_74 : vector<128x2xi1>, vector<128x2xi32>
    %convert_element_type3A = arith.sitofp %select_n3A_75 : vector<128x2xi32> to vector<128x2xf32>
    %div3A_76 = arith.constant 3.200000e+01 : f32
    %div3A_77 = vector.broadcast %div3A_76 : f32 to vector<128x2xf32>
    %div3A_78 = arith.divf %convert_element_type3A, %div3A_77 : vector<128x2xf32>
    %eq3A_79 = arith.constant 0 : i32
    %eq3A_80 = vector.broadcast %eq3A_79 : i32 to vector<128x2xi32>
    %eq3A_81 = arith.cmpi eq, %iota3A_28, %eq3A_80 : vector<128x2xi32>
    %broadcast_in_dim3A = vector.broadcast %reduce_min3A_8 : f32 to vector<128x2xf32>
    %broadcast_in_dim3A_82 = vector.broadcast %reduce_min3A_19 : f32 to vector<128x2xf32>
    %select_n3A_83 = arith.select %eq3A_81, %broadcast_in_dim3A, %broadcast_in_dim3A_82 : vector<128x2xi1>, vector<128x2xf32>
    %eq3A_84 = arith.constant 0 : i32
    %eq3A_85 = vector.broadcast %eq3A_84 : i32 to vector<128x2xi32>
    %eq3A_86 = arith.cmpi eq, %iota3A_28, %eq3A_85 : vector<128x2xi32>
    %broadcast_in_dim3A_87 = vector.broadcast %reduce_max3A_13 : f32 to vector<128x2xf32>
    %broadcast_in_dim3A_88 = vector.broadcast %reduce_max3A_25 : f32 to vector<128x2xf32>
    %select_n3A_89 = arith.select %eq3A_86, %broadcast_in_dim3A_87, %broadcast_in_dim3A_88 : vector<128x2xi1>, vector<128x2xf32>
    %sub3A_90 = arith.subf %select_n3A_89, %select_n3A_83 : vector<128x2xf32>
    %mul3A_91 = arith.mulf %div3A_78, %sub3A_90 : vector<128x2xf32>
    %add3A_92 = arith.addf %mul3A_91, %select_n3A_83 : vector<128x2xf32>
    %dot_general3A = arith.constant dense<0.000000e+00> : vector<128x8192xf32>
    %dot_general3A_93 = tpu.matmul %add3A_92, %slice3A, %dot_general3A {dimension_numbers = #tpu.dot_dimension_numbers<[1], [0], [0], [1], [0, 0, 1, 1], [], []>, transpose_lhs_hint = false} : vector<128x2xf32>, vector<2x8192xf32>, vector<128x8192xf32> -> vector<128x8192xf32>
    %mul3A_94 = arith.constant -2.000000e+00 : f32
    %mul3A_95 = vector.broadcast %mul3A_94 : f32 to vector<128x8192xf32>
    %mul3A_96 = arith.mulf %mul3A_95, %dot_general3A_93 : vector<128x8192xf32>
    %mul3A_97 = arith.mulf %slice3A, %slice3A : vector<2x8192xf32>
    %reduce_sum3A = arith.constant dense<0.000000e+00> : vector<8192xf32>
    %reduce_sum3A_98 = vector.multi_reduction <add>, %mul3A_97, %reduce_sum3A [0] : vector<2x8192xf32> to vector<8192xf32>
    %broadcast_in_dim3A_99 = vector.shape_cast %reduce_sum3A_98 : vector<8192xf32> to vector<1x8192xf32>
    %mul3A_100 = arith.mulf %add3A_92, %add3A_92 : vector<128x2xf32>
    %reduce_sum3A_101 = arith.constant dense<0.000000e+00> : vector<128xf32>
    %reduce_sum3A_102 = vector.multi_reduction <add>, %mul3A_100, %reduce_sum3A_101 [1] : vector<128x2xf32> to vector<128xf32>
    %broadcast_in_dim3A_103 = vector.shape_cast %reduce_sum3A_102 : vector<128xf32> to vector<128x1xf32>
    %neg3A = arith.constant 0.000000e+00 : f32
    %neg3A_104 = vector.broadcast %neg3A : f32 to vector<1x8192xf32>
    %neg3A_105 = arith.subf %neg3A_104, %broadcast_in_dim3A_99 : vector<1x8192xf32>
    %sub3A_106 = vector.broadcast %neg3A_105 : vector<1x8192xf32> to vector<128x8192xf32>
    %sub3A_107 = arith.subf %sub3A_106, %mul3A_96 : vector<128x8192xf32>
    %sub3A_108 = vector.broadcast %broadcast_in_dim3A_103 : vector<128x1xf32> to vector<128x8192xf32>
    %sub3A_109 = arith.subf %sub3A_107, %sub3A_108 : vector<128x8192xf32>
    %argmax3A = tpu.reduce_index %sub3A_109 {axis = 1 : i32, kind = #tpu.reduction_kind<arg_max>} : vector<128x8192xf32> -> vector<128xi32>
    %broadcast_in_dim3A_110 = vector.shape_cast %argmax3A : vector<128xi32> to vector<128x1xi32>
    %swap3A = arith.constant 0 : index
    %swap3A_111 = arith.constant 0 : index
    %swap3A_112 = arith.constant 0 : index
    %swap3A_113 = vector.load %arg3[%swap3A, %swap3A_111, %swap3A_112] : memref<1x128x1xi32, #tpu.memory_space<vmem>>, vector<1x128x1xi32>
    %swap3A_114 = vector.shape_cast %swap3A_113 : vector<1x128x1xi32> to vector<128x1xi32>
    %swap3A_115 = vector.shape_cast %broadcast_in_dim3A_110 : vector<128x1xi32> to vector<1x128x1xi32>
    tpu.vector_store %arg3[%swap3A, %swap3A_111, %swap3A_112], %swap3A_115 {strides = array<i32>} : memref<1x128x1xi32, #tpu.memory_space<vmem>>, vector<1x128x1xi32>,
    return
  }
  func.func @transform_0(%arg0: i32, %arg1: i32) -> (i32, i32, i32) {
    %c0_i32 = arith.constant 0 : i32
    %c0_i32_0 = arith.constant 0 : i32
    %c0_i32_1 = arith.constant 0 : i32
    return %arg0, %c0_i32, %c0_i32_0 : i32, i32, i32
  }
  func.func @transform_1(%arg0: i32, %arg1: i32) -> (i32, i32, i32) {
    %c0_i32 = arith.constant 0 : i32
    %c0_i32_0 = arith.constant 0 : i32
    return %arg0, %arg1, %c0_i32 : i32, i32, i32
  }
}

module attributes {stable_mosaic.version = 14 : i64} {
  func.func @_stage_c_body(%arg0: i32, %arg1: i32, %arg2: memref<1x3x8192xf32, #tpu.memory_space<vmem>>, %arg3: memref<1x128x3xf32, #tpu.memory_space<vmem>>, %arg4: memref<1x128x16xi32, #tpu.memory_space<vmem>>) attributes {dimension_semantics = [#tpu.dimension_semantics<arbitrary>, #tpu.dimension_semantics<arbitrary>], iteration_bounds = array<i64: 4, 8>, scalar_prefetch = 0 : i64, scratch_operands = 0 : i64, tpu.core_type = #tpu.core_type<tc>, window_params = [{transform_indices = @transform_0, window_bounds = array<i64: 1, 3, 8192>}, {transform_indices = @transform_1, window_bounds = array<i64: 1, 128, 3>}, {transform_indices = @transform_2, window_bounds = array<i64: 1, 128, 16>}]} {
    %get3A = arith.constant 0 : index
    %get3A_0 = arith.constant 0 : index
    %get3A_1 = arith.constant 0 : index
    %get3A_2 = vector.load %arg2[%get3A, %get3A_0, %get3A_1] : memref<1x3x8192xf32, #tpu.memory_space<vmem>>, vector<1x3x8192xf32>
    %get3A_3 = vector.shape_cast %get3A_2 : vector<1x3x8192xf32> to vector<3x8192xf32>
    %get3A_4 = arith.constant 0 : index
    %get3A_5 = arith.constant 0 : index
    %get3A_6 = arith.constant 0 : index
    %get3A_7 = vector.load %arg3[%get3A_4, %get3A_5, %get3A_6] : memref<1x128x3xf32, #tpu.memory_space<vmem>>, vector<1x128x3xf32>
    %get3A_8 = vector.shape_cast %get3A_7 : vector<1x128x3xf32> to vector<128x3xf32>
    %dot_general3A = arith.constant dense<0.000000e+00> : vector<128x8192xf32>
    %dot_general3A_9 = tpu.matmul %get3A_8, %get3A_3, %dot_general3A {dimension_numbers = #tpu.dot_dimension_numbers<[1], [0], [0], [1], [0, 0, 1, 1], [], []>, transpose_lhs_hint = false} : vector<128x3xf32>, vector<3x8192xf32>, vector<128x8192xf32> -> vector<128x8192xf32>
    %mul3A = arith.constant -2.000000e+00 : f32
    %mul3A_10 = vector.broadcast %mul3A : f32 to vector<128x8192xf32>
    %mul3A_11 = arith.mulf %mul3A_10, %dot_general3A_9 : vector<128x8192xf32>
    %mul3A_12 = arith.mulf %get3A_3, %get3A_3 : vector<3x8192xf32>
    %reduce_sum3A = arith.constant dense<0.000000e+00> : vector<8192xf32>
    %reduce_sum3A_13 = vector.multi_reduction <add>, %mul3A_12, %reduce_sum3A [0] : vector<3x8192xf32> to vector<8192xf32>
    %broadcast_in_dim3A = vector.shape_cast %reduce_sum3A_13 : vector<8192xf32> to vector<1x8192xf32>
    %mul3A_14 = arith.mulf %get3A_8, %get3A_8 : vector<128x3xf32>
    %reduce_sum3A_15 = arith.constant dense<0.000000e+00> : vector<128xf32>
    %reduce_sum3A_16 = vector.multi_reduction <add>, %mul3A_14, %reduce_sum3A_15 [1] : vector<128x3xf32> to vector<128xf32>
    %broadcast_in_dim3A_17 = vector.shape_cast %reduce_sum3A_16 : vector<128xf32> to vector<128x1xf32>
    %neg3A = arith.constant 0.000000e+00 : f32
    %neg3A_18 = vector.broadcast %neg3A : f32 to vector<1x8192xf32>
    %neg3A_19 = arith.subf %neg3A_18, %broadcast_in_dim3A : vector<1x8192xf32>
    %sub3A = vector.broadcast %neg3A_19 : vector<1x8192xf32> to vector<128x8192xf32>
    %sub3A_20 = arith.subf %sub3A, %mul3A_11 : vector<128x8192xf32>
    %sub3A_21 = vector.broadcast %broadcast_in_dim3A_17 : vector<128x1xf32> to vector<128x8192xf32>
    %sub3A_22 = arith.subf %sub3A_20, %sub3A_21 : vector<128x8192xf32>
    %iota3A = tpu.iota {dimensions = array<i32: 1>} : vector<128x8192xi32>
    %argmax3A = tpu.reduce_index %sub3A_22 {axis = 1 : i32, kind = #tpu.reduction_kind<arg_max>} : vector<128x8192xf32> -> vector<128xi32>
    %swap3A = arith.constant 0 : index
    %swap3A_23 = arith.constant 0 : index
    %swap3A_24 = arith.constant 0 : index
    %swap3A_25 = vector.load %arg4[%swap3A, %swap3A_23, %swap3A_24] : memref<1x128x16xi32, #tpu.memory_space<vmem>>, vector<1x128x1xi32>
    %swap3A_26 = vector.shape_cast %swap3A_25 : vector<1x128x1xi32> to vector<128xi32>
    %swap3A_27 = vector.shape_cast %argmax3A : vector<128xi32> to vector<1x128x1xi32>
    tpu.vector_store %arg4[%swap3A, %swap3A_23, %swap3A_24], %swap3A_27 {strides = array<i32>} : memref<1x128x16xi32, #tpu.memory_space<vmem>>, vector<1x128x1xi32>,
    %broadcast_in_dim3A_28 = vector.shape_cast %argmax3A : vector<128xi32> to vector<128x1xi32>
    %eq3A = vector.broadcast %broadcast_in_dim3A_28 : vector<128x1xi32> to vector<128x8192xi32>
    %eq3A_29 = arith.cmpi eq, %iota3A, %eq3A : vector<128x8192xi32>
    %jit3A = arith.constant 0xFF800000 : f32
    %broadcast_in_dim3A_30 = vector.broadcast %jit3A : f32 to vector<128x8192xf32>
    %select_n3A = arith.select %eq3A_29, %broadcast_in_dim3A_30, %sub3A_22 : vector<128x8192xi1>, vector<128x8192xf32>
    %argmax3A_31 = tpu.reduce_index %select_n3A {axis = 1 : i32, kind = #tpu.reduction_kind<arg_max>} : vector<128x8192xf32> -> vector<128xi32>
    %swap3A_32 = arith.constant 0 : index
    %swap3A_33 = arith.constant 0 : index
    %swap3A_34 = arith.constant 1 : index
    %swap3A_35 = vector.load %arg4[%swap3A_32, %swap3A_33, %swap3A_34] : memref<1x128x16xi32, #tpu.memory_space<vmem>>, vector<1x128x1xi32>
    %swap3A_36 = vector.shape_cast %swap3A_35 : vector<1x128x1xi32> to vector<128xi32>
    %swap3A_37 = vector.shape_cast %argmax3A_31 : vector<128xi32> to vector<1x128x1xi32>
    tpu.vector_store %arg4[%swap3A_32, %swap3A_33, %swap3A_34], %swap3A_37 {strides = array<i32>} : memref<1x128x16xi32, #tpu.memory_space<vmem>>, vector<1x128x1xi32>,
    %broadcast_in_dim3A_38 = vector.shape_cast %argmax3A_31 : vector<128xi32> to vector<128x1xi32>
    %eq3A_39 = vector.broadcast %broadcast_in_dim3A_38 : vector<128x1xi32> to vector<128x8192xi32>
    %eq3A_40 = arith.cmpi eq, %iota3A, %eq3A_39 : vector<128x8192xi32>
    %jit3A_41 = arith.constant 0xFF800000 : f32
    %broadcast_in_dim3A_42 = vector.broadcast %jit3A_41 : f32 to vector<128x8192xf32>
    %select_n3A_43 = arith.select %eq3A_40, %broadcast_in_dim3A_42, %select_n3A : vector<128x8192xi1>, vector<128x8192xf32>
    %argmax3A_44 = tpu.reduce_index %select_n3A_43 {axis = 1 : i32, kind = #tpu.reduction_kind<arg_max>} : vector<128x8192xf32> -> vector<128xi32>
    %swap3A_45 = arith.constant 0 : index
    %swap3A_46 = arith.constant 0 : index
    %swap3A_47 = arith.constant 2 : index
    %swap3A_48 = vector.load %arg4[%swap3A_45, %swap3A_46, %swap3A_47] : memref<1x128x16xi32, #tpu.memory_space<vmem>>, vector<1x128x1xi32>
    %swap3A_49 = vector.shape_cast %swap3A_48 : vector<1x128x1xi32> to vector<128xi32>
    %swap3A_50 = vector.shape_cast %argmax3A_44 : vector<128xi32> to vector<1x128x1xi32>
    tpu.vector_store %arg4[%swap3A_45, %swap3A_46, %swap3A_47], %swap3A_50 {strides = array<i32>} : memref<1x128x16xi32, #tpu.memory_space<vmem>>, vector<1x128x1xi32>,
    %broadcast_in_dim3A_51 = vector.shape_cast %argmax3A_44 : vector<128xi32> to vector<128x1xi32>
    %eq3A_52 = vector.broadcast %broadcast_in_dim3A_51 : vector<128x1xi32> to vector<128x8192xi32>
    %eq3A_53 = arith.cmpi eq, %iota3A, %eq3A_52 : vector<128x8192xi32>
    %jit3A_54 = arith.constant 0xFF800000 : f32
    %broadcast_in_dim3A_55 = vector.broadcast %jit3A_54 : f32 to vector<128x8192xf32>
    %select_n3A_56 = arith.select %eq3A_53, %broadcast_in_dim3A_55, %select_n3A_43 : vector<128x8192xi1>, vector<128x8192xf32>
    %argmax3A_57 = tpu.reduce_index %select_n3A_56 {axis = 1 : i32, kind = #tpu.reduction_kind<arg_max>} : vector<128x8192xf32> -> vector<128xi32>
    %swap3A_58 = arith.constant 0 : index
    %swap3A_59 = arith.constant 0 : index
    %swap3A_60 = arith.constant 3 : index
    %swap3A_61 = vector.load %arg4[%swap3A_58, %swap3A_59, %swap3A_60] : memref<1x128x16xi32, #tpu.memory_space<vmem>>, vector<1x128x1xi32>
    %swap3A_62 = vector.shape_cast %swap3A_61 : vector<1x128x1xi32> to vector<128xi32>
    %swap3A_63 = vector.shape_cast %argmax3A_57 : vector<128xi32> to vector<1x128x1xi32>
    tpu.vector_store %arg4[%swap3A_58, %swap3A_59, %swap3A_60], %swap3A_63 {strides = array<i32>} : memref<1x128x16xi32, #tpu.memory_space<vmem>>, vector<1x128x1xi32>,
    %broadcast_in_dim3A_64 = vector.shape_cast %argmax3A_57 : vector<128xi32> to vector<128x1xi32>
    %eq3A_65 = vector.broadcast %broadcast_in_dim3A_64 : vector<128x1xi32> to vector<128x8192xi32>
    %eq3A_66 = arith.cmpi eq, %iota3A, %eq3A_65 : vector<128x8192xi32>
    %jit3A_67 = arith.constant 0xFF800000 : f32
    %broadcast_in_dim3A_68 = vector.broadcast %jit3A_67 : f32 to vector<128x8192xf32>
    %select_n3A_69 = arith.select %eq3A_66, %broadcast_in_dim3A_68, %select_n3A_56 : vector<128x8192xi1>, vector<128x8192xf32>
    %argmax3A_70 = tpu.reduce_index %select_n3A_69 {axis = 1 : i32, kind = #tpu.reduction_kind<arg_max>} : vector<128x8192xf32> -> vector<128xi32>
    %swap3A_71 = arith.constant 0 : index
    %swap3A_72 = arith.constant 0 : index
    %swap3A_73 = arith.constant 4 : index
    %swap3A_74 = vector.load %arg4[%swap3A_71, %swap3A_72, %swap3A_73] : memref<1x128x16xi32, #tpu.memory_space<vmem>>, vector<1x128x1xi32>
    %swap3A_75 = vector.shape_cast %swap3A_74 : vector<1x128x1xi32> to vector<128xi32>
    %swap3A_76 = vector.shape_cast %argmax3A_70 : vector<128xi32> to vector<1x128x1xi32>
    tpu.vector_store %arg4[%swap3A_71, %swap3A_72, %swap3A_73], %swap3A_76 {strides = array<i32>} : memref<1x128x16xi32, #tpu.memory_space<vmem>>, vector<1x128x1xi32>,
    %broadcast_in_dim3A_77 = vector.shape_cast %argmax3A_70 : vector<128xi32> to vector<128x1xi32>
    %eq3A_78 = vector.broadcast %broadcast_in_dim3A_77 : vector<128x1xi32> to vector<128x8192xi32>
    %eq3A_79 = arith.cmpi eq, %iota3A, %eq3A_78 : vector<128x8192xi32>
    %jit3A_80 = arith.constant 0xFF800000 : f32
    %broadcast_in_dim3A_81 = vector.broadcast %jit3A_80 : f32 to vector<128x8192xf32>
    %select_n3A_82 = arith.select %eq3A_79, %broadcast_in_dim3A_81, %select_n3A_69 : vector<128x8192xi1>, vector<128x8192xf32>
    %argmax3A_83 = tpu.reduce_index %select_n3A_82 {axis = 1 : i32, kind = #tpu.reduction_kind<arg_max>} : vector<128x8192xf32> -> vector<128xi32>
    %swap3A_84 = arith.constant 0 : index
    %swap3A_85 = arith.constant 0 : index
    %swap3A_86 = arith.constant 5 : index
    %swap3A_87 = vector.load %arg4[%swap3A_84, %swap3A_85, %swap3A_86] : memref<1x128x16xi32, #tpu.memory_space<vmem>>, vector<1x128x1xi32>
    %swap3A_88 = vector.shape_cast %swap3A_87 : vector<1x128x1xi32> to vector<128xi32>
    %swap3A_89 = vector.shape_cast %argmax3A_83 : vector<128xi32> to vector<1x128x1xi32>
    tpu.vector_store %arg4[%swap3A_84, %swap3A_85, %swap3A_86], %swap3A_89 {strides = array<i32>} : memref<1x128x16xi32, #tpu.memory_space<vmem>>, vector<1x128x1xi32>,
    %broadcast_in_dim3A_90 = vector.shape_cast %argmax3A_83 : vector<128xi32> to vector<128x1xi32>
    %eq3A_91 = vector.broadcast %broadcast_in_dim3A_90 : vector<128x1xi32> to vector<128x8192xi32>
    %eq3A_92 = arith.cmpi eq, %iota3A, %eq3A_91 : vector<128x8192xi32>
    %jit3A_93 = arith.constant 0xFF800000 : f32
    %broadcast_in_dim3A_94 = vector.broadcast %jit3A_93 : f32 to vector<128x8192xf32>
    %select_n3A_95 = arith.select %eq3A_92, %broadcast_in_dim3A_94, %select_n3A_82 : vector<128x8192xi1>, vector<128x8192xf32>
    %argmax3A_96 = tpu.reduce_index %select_n3A_95 {axis = 1 : i32, kind = #tpu.reduction_kind<arg_max>} : vector<128x8192xf32> -> vector<128xi32>
    %swap3A_97 = arith.constant 0 : index
    %swap3A_98 = arith.constant 0 : index
    %swap3A_99 = arith.constant 6 : index
    %swap3A_100 = vector.load %arg4[%swap3A_97, %swap3A_98, %swap3A_99] : memref<1x128x16xi32, #tpu.memory_space<vmem>>, vector<1x128x1xi32>
    %swap3A_101 = vector.shape_cast %swap3A_100 : vector<1x128x1xi32> to vector<128xi32>
    %swap3A_102 = vector.shape_cast %argmax3A_96 : vector<128xi32> to vector<1x128x1xi32>
    tpu.vector_store %arg4[%swap3A_97, %swap3A_98, %swap3A_99], %swap3A_102 {strides = array<i32>} : memref<1x128x16xi32, #tpu.memory_space<vmem>>, vector<1x128x1xi32>,
    %broadcast_in_dim3A_103 = vector.shape_cast %argmax3A_96 : vector<128xi32> to vector<128x1xi32>
    %eq3A_104 = vector.broadcast %broadcast_in_dim3A_103 : vector<128x1xi32> to vector<128x8192xi32>
    %eq3A_105 = arith.cmpi eq, %iota3A, %eq3A_104 : vector<128x8192xi32>
    %jit3A_106 = arith.constant 0xFF800000 : f32
    %broadcast_in_dim3A_107 = vector.broadcast %jit3A_106 : f32 to vector<128x8192xf32>
    %select_n3A_108 = arith.select %eq3A_105, %broadcast_in_dim3A_107, %select_n3A_95 : vector<128x8192xi1>, vector<128x8192xf32>
    %argmax3A_109 = tpu.reduce_index %select_n3A_108 {axis = 1 : i32, kind = #tpu.reduction_kind<arg_max>} : vector<128x8192xf32> -> vector<128xi32>
    %swap3A_110 = arith.constant 0 : index
    %swap3A_111 = arith.constant 0 : index
    %swap3A_112 = arith.constant 7 : index
    %swap3A_113 = vector.load %arg4[%swap3A_110, %swap3A_111, %swap3A_112] : memref<1x128x16xi32, #tpu.memory_space<vmem>>, vector<1x128x1xi32>
    %swap3A_114 = vector.shape_cast %swap3A_113 : vector<1x128x1xi32> to vector<128xi32>
    %swap3A_115 = vector.shape_cast %argmax3A_109 : vector<128xi32> to vector<1x128x1xi32>
    tpu.vector_store %arg4[%swap3A_110, %swap3A_111, %swap3A_112], %swap3A_115 {strides = array<i32>} : memref<1x128x16xi32, #tpu.memory_space<vmem>>, vector<1x128x1xi32>,
    %broadcast_in_dim3A_116 = vector.shape_cast %argmax3A_109 : vector<128xi32> to vector<128x1xi32>
    %eq3A_117 = vector.broadcast %broadcast_in_dim3A_116 : vector<128x1xi32> to vector<128x8192xi32>
    %eq3A_118 = arith.cmpi eq, %iota3A, %eq3A_117 : vector<128x8192xi32>
    %jit3A_119 = arith.constant 0xFF800000 : f32
    %broadcast_in_dim3A_120 = vector.broadcast %jit3A_119 : f32 to vector<128x8192xf32>
    %select_n3A_121 = arith.select %eq3A_118, %broadcast_in_dim3A_120, %select_n3A_108 : vector<128x8192xi1>, vector<128x8192xf32>
    %argmax3A_122 = tpu.reduce_index %select_n3A_121 {axis = 1 : i32, kind = #tpu.reduction_kind<arg_max>} : vector<128x8192xf32> -> vector<128xi32>
    %swap3A_123 = arith.constant 0 : index
    %swap3A_124 = arith.constant 0 : index
    %swap3A_125 = arith.constant 8 : index
    %swap3A_126 = vector.load %arg4[%swap3A_123, %swap3A_124, %swap3A_125] : memref<1x128x16xi32, #tpu.memory_space<vmem>>, vector<1x128x1xi32>
    %swap3A_127 = vector.shape_cast %swap3A_126 : vector<1x128x1xi32> to vector<128xi32>
    %swap3A_128 = vector.shape_cast %argmax3A_122 : vector<128xi32> to vector<1x128x1xi32>
    tpu.vector_store %arg4[%swap3A_123, %swap3A_124, %swap3A_125], %swap3A_128 {strides = array<i32>} : memref<1x128x16xi32, #tpu.memory_space<vmem>>, vector<1x128x1xi32>,
    %broadcast_in_dim3A_129 = vector.shape_cast %argmax3A_122 : vector<128xi32> to vector<128x1xi32>
    %eq3A_130 = vector.broadcast %broadcast_in_dim3A_129 : vector<128x1xi32> to vector<128x8192xi32>
    %eq3A_131 = arith.cmpi eq, %iota3A, %eq3A_130 : vector<128x8192xi32>
    %jit3A_132 = arith.constant 0xFF800000 : f32
    %broadcast_in_dim3A_133 = vector.broadcast %jit3A_132 : f32 to vector<128x8192xf32>
    %select_n3A_134 = arith.select %eq3A_131, %broadcast_in_dim3A_133, %select_n3A_121 : vector<128x8192xi1>, vector<128x8192xf32>
    %argmax3A_135 = tpu.reduce_index %select_n3A_134 {axis = 1 : i32, kind = #tpu.reduction_kind<arg_max>} : vector<128x8192xf32> -> vector<128xi32>
    %swap3A_136 = arith.constant 0 : index
    %swap3A_137 = arith.constant 0 : index
    %swap3A_138 = arith.constant 9 : index
    %swap3A_139 = vector.load %arg4[%swap3A_136, %swap3A_137, %swap3A_138] : memref<1x128x16xi32, #tpu.memory_space<vmem>>, vector<1x128x1xi32>
    %swap3A_140 = vector.shape_cast %swap3A_139 : vector<1x128x1xi32> to vector<128xi32>
    %swap3A_141 = vector.shape_cast %argmax3A_135 : vector<128xi32> to vector<1x128x1xi32>
    tpu.vector_store %arg4[%swap3A_136, %swap3A_137, %swap3A_138], %swap3A_141 {strides = array<i32>} : memref<1x128x16xi32, #tpu.memory_space<vmem>>, vector<1x128x1xi32>,
    %broadcast_in_dim3A_142 = vector.shape_cast %argmax3A_135 : vector<128xi32> to vector<128x1xi32>
    %eq3A_143 = vector.broadcast %broadcast_in_dim3A_142 : vector<128x1xi32> to vector<128x8192xi32>
    %eq3A_144 = arith.cmpi eq, %iota3A, %eq3A_143 : vector<128x8192xi32>
    %jit3A_145 = arith.constant 0xFF800000 : f32
    %broadcast_in_dim3A_146 = vector.broadcast %jit3A_145 : f32 to vector<128x8192xf32>
    %select_n3A_147 = arith.select %eq3A_144, %broadcast_in_dim3A_146, %select_n3A_134 : vector<128x8192xi1>, vector<128x8192xf32>
    %argmax3A_148 = tpu.reduce_index %select_n3A_147 {axis = 1 : i32, kind = #tpu.reduction_kind<arg_max>} : vector<128x8192xf32> -> vector<128xi32>
    %swap3A_149 = arith.constant 0 : index
    %swap3A_150 = arith.constant 0 : index
    %swap3A_151 = arith.constant 10 : index
    %swap3A_152 = vector.load %arg4[%swap3A_149, %swap3A_150, %swap3A_151] : memref<1x128x16xi32, #tpu.memory_space<vmem>>, vector<1x128x1xi32>
    %swap3A_153 = vector.shape_cast %swap3A_152 : vector<1x128x1xi32> to vector<128xi32>
    %swap3A_154 = vector.shape_cast %argmax3A_148 : vector<128xi32> to vector<1x128x1xi32>
    tpu.vector_store %arg4[%swap3A_149, %swap3A_150, %swap3A_151], %swap3A_154 {strides = array<i32>} : memref<1x128x16xi32, #tpu.memory_space<vmem>>, vector<1x128x1xi32>,
    %broadcast_in_dim3A_155 = vector.shape_cast %argmax3A_148 : vector<128xi32> to vector<128x1xi32>
    %eq3A_156 = vector.broadcast %broadcast_in_dim3A_155 : vector<128x1xi32> to vector<128x8192xi32>
    %eq3A_157 = arith.cmpi eq, %iota3A, %eq3A_156 : vector<128x8192xi32>
    %jit3A_158 = arith.constant 0xFF800000 : f32
    %broadcast_in_dim3A_159 = vector.broadcast %jit3A_158 : f32 to vector<128x8192xf32>
    %select_n3A_160 = arith.select %eq3A_157, %broadcast_in_dim3A_159, %select_n3A_147 : vector<128x8192xi1>, vector<128x8192xf32>
    %argmax3A_161 = tpu.reduce_index %select_n3A_160 {axis = 1 : i32, kind = #tpu.reduction_kind<arg_max>} : vector<128x8192xf32> -> vector<128xi32>
    %swap3A_162 = arith.constant 0 : index
    %swap3A_163 = arith.constant 0 : index
    %swap3A_164 = arith.constant 11 : index
    %swap3A_165 = vector.load %arg4[%swap3A_162, %swap3A_163, %swap3A_164] : memref<1x128x16xi32, #tpu.memory_space<vmem>>, vector<1x128x1xi32>
    %swap3A_166 = vector.shape_cast %swap3A_165 : vector<1x128x1xi32> to vector<128xi32>
    %swap3A_167 = vector.shape_cast %argmax3A_161 : vector<128xi32> to vector<1x128x1xi32>
    tpu.vector_store %arg4[%swap3A_162, %swap3A_163, %swap3A_164], %swap3A_167 {strides = array<i32>} : memref<1x128x16xi32, #tpu.memory_space<vmem>>, vector<1x128x1xi32>,
    %broadcast_in_dim3A_168 = vector.shape_cast %argmax3A_161 : vector<128xi32> to vector<128x1xi32>
    %eq3A_169 = vector.broadcast %broadcast_in_dim3A_168 : vector<128x1xi32> to vector<128x8192xi32>
    %eq3A_170 = arith.cmpi eq, %iota3A, %eq3A_169 : vector<128x8192xi32>
    %jit3A_171 = arith.constant 0xFF800000 : f32
    %broadcast_in_dim3A_172 = vector.broadcast %jit3A_171 : f32 to vector<128x8192xf32>
    %select_n3A_173 = arith.select %eq3A_170, %broadcast_in_dim3A_172, %select_n3A_160 : vector<128x8192xi1>, vector<128x8192xf32>
    %argmax3A_174 = tpu.reduce_index %select_n3A_173 {axis = 1 : i32, kind = #tpu.reduction_kind<arg_max>} : vector<128x8192xf32> -> vector<128xi32>
    %swap3A_175 = arith.constant 0 : index
    %swap3A_176 = arith.constant 0 : index
    %swap3A_177 = arith.constant 12 : index
    %swap3A_178 = vector.load %arg4[%swap3A_175, %swap3A_176, %swap3A_177] : memref<1x128x16xi32, #tpu.memory_space<vmem>>, vector<1x128x1xi32>
    %swap3A_179 = vector.shape_cast %swap3A_178 : vector<1x128x1xi32> to vector<128xi32>
    %swap3A_180 = vector.shape_cast %argmax3A_174 : vector<128xi32> to vector<1x128x1xi32>
    tpu.vector_store %arg4[%swap3A_175, %swap3A_176, %swap3A_177], %swap3A_180 {strides = array<i32>} : memref<1x128x16xi32, #tpu.memory_space<vmem>>, vector<1x128x1xi32>,
    %broadcast_in_dim3A_181 = vector.shape_cast %argmax3A_174 : vector<128xi32> to vector<128x1xi32>
    %eq3A_182 = vector.broadcast %broadcast_in_dim3A_181 : vector<128x1xi32> to vector<128x8192xi32>
    %eq3A_183 = arith.cmpi eq, %iota3A, %eq3A_182 : vector<128x8192xi32>
    %jit3A_184 = arith.constant 0xFF800000 : f32
    %broadcast_in_dim3A_185 = vector.broadcast %jit3A_184 : f32 to vector<128x8192xf32>
    %select_n3A_186 = arith.select %eq3A_183, %broadcast_in_dim3A_185, %select_n3A_173 : vector<128x8192xi1>, vector<128x8192xf32>
    %argmax3A_187 = tpu.reduce_index %select_n3A_186 {axis = 1 : i32, kind = #tpu.reduction_kind<arg_max>} : vector<128x8192xf32> -> vector<128xi32>
    %swap3A_188 = arith.constant 0 : index
    %swap3A_189 = arith.constant 0 : index
    %swap3A_190 = arith.constant 13 : index
    %swap3A_191 = vector.load %arg4[%swap3A_188, %swap3A_189, %swap3A_190] : memref<1x128x16xi32, #tpu.memory_space<vmem>>, vector<1x128x1xi32>
    %swap3A_192 = vector.shape_cast %swap3A_191 : vector<1x128x1xi32> to vector<128xi32>
    %swap3A_193 = vector.shape_cast %argmax3A_187 : vector<128xi32> to vector<1x128x1xi32>
    tpu.vector_store %arg4[%swap3A_188, %swap3A_189, %swap3A_190], %swap3A_193 {strides = array<i32>} : memref<1x128x16xi32, #tpu.memory_space<vmem>>, vector<1x128x1xi32>,
    %broadcast_in_dim3A_194 = vector.shape_cast %argmax3A_187 : vector<128xi32> to vector<128x1xi32>
    %eq3A_195 = vector.broadcast %broadcast_in_dim3A_194 : vector<128x1xi32> to vector<128x8192xi32>
    %eq3A_196 = arith.cmpi eq, %iota3A, %eq3A_195 : vector<128x8192xi32>
    %jit3A_197 = arith.constant 0xFF800000 : f32
    %broadcast_in_dim3A_198 = vector.broadcast %jit3A_197 : f32 to vector<128x8192xf32>
    %select_n3A_199 = arith.select %eq3A_196, %broadcast_in_dim3A_198, %select_n3A_186 : vector<128x8192xi1>, vector<128x8192xf32>
    %argmax3A_200 = tpu.reduce_index %select_n3A_199 {axis = 1 : i32, kind = #tpu.reduction_kind<arg_max>} : vector<128x8192xf32> -> vector<128xi32>
    %swap3A_201 = arith.constant 0 : index
    %swap3A_202 = arith.constant 0 : index
    %swap3A_203 = arith.constant 14 : index
    %swap3A_204 = vector.load %arg4[%swap3A_201, %swap3A_202, %swap3A_203] : memref<1x128x16xi32, #tpu.memory_space<vmem>>, vector<1x128x1xi32>
    %swap3A_205 = vector.shape_cast %swap3A_204 : vector<1x128x1xi32> to vector<128xi32>
    %swap3A_206 = vector.shape_cast %argmax3A_200 : vector<128xi32> to vector<1x128x1xi32>
    tpu.vector_store %arg4[%swap3A_201, %swap3A_202, %swap3A_203], %swap3A_206 {strides = array<i32>} : memref<1x128x16xi32, #tpu.memory_space<vmem>>, vector<1x128x1xi32>,
    %broadcast_in_dim3A_207 = vector.shape_cast %argmax3A_200 : vector<128xi32> to vector<128x1xi32>
    %eq3A_208 = vector.broadcast %broadcast_in_dim3A_207 : vector<128x1xi32> to vector<128x8192xi32>
    %eq3A_209 = arith.cmpi eq, %iota3A, %eq3A_208 : vector<128x8192xi32>
    %jit3A_210 = arith.constant 0xFF800000 : f32
    %broadcast_in_dim3A_211 = vector.broadcast %jit3A_210 : f32 to vector<128x8192xf32>
    %select_n3A_212 = arith.select %eq3A_209, %broadcast_in_dim3A_211, %select_n3A_199 : vector<128x8192xi1>, vector<128x8192xf32>
    %argmax3A_213 = tpu.reduce_index %select_n3A_212 {axis = 1 : i32, kind = #tpu.reduction_kind<arg_max>} : vector<128x8192xf32> -> vector<128xi32>
    %swap3A_214 = arith.constant 0 : index
    %swap3A_215 = arith.constant 0 : index
    %swap3A_216 = arith.constant 15 : index
    %swap3A_217 = vector.load %arg4[%swap3A_214, %swap3A_215, %swap3A_216] : memref<1x128x16xi32, #tpu.memory_space<vmem>>, vector<1x128x1xi32>
    %swap3A_218 = vector.shape_cast %swap3A_217 : vector<1x128x1xi32> to vector<128xi32>
    %swap3A_219 = vector.shape_cast %argmax3A_213 : vector<128xi32> to vector<1x128x1xi32>
    tpu.vector_store %arg4[%swap3A_214, %swap3A_215, %swap3A_216], %swap3A_219 {strides = array<i32>} : memref<1x128x16xi32, #tpu.memory_space<vmem>>, vector<1x128x1xi32>,
    return
  }
  func.func @transform_0(%arg0: i32, %arg1: i32) -> (i32, i32, i32) {
    %c0_i32 = arith.constant 0 : i32
    %c0_i32_0 = arith.constant 0 : i32
    %c0_i32_1 = arith.constant 0 : i32
    return %arg0, %c0_i32, %c0_i32_0 : i32, i32, i32
  }
  func.func @transform_1(%arg0: i32, %arg1: i32) -> (i32, i32, i32) {
    %c0_i32 = arith.constant 0 : i32
    %c0_i32_0 = arith.constant 0 : i32
    return %arg0, %arg1, %c0_i32 : i32, i32, i32
  }
  func.func @transform_2(%arg0: i32, %arg1: i32) -> (i32, i32, i32) {
    %c0_i32 = arith.constant 0 : i32
    %c0_i32_0 = arith.constant 0 : i32
    return %arg0, %arg1, %c0_i32 : i32, i32, i32
  }
}

</mosaic_0001>

<sc_bundles>
// kernel: kernel.6.cloned.1.call-start
scs
__scs_entry_jumppad:
0x0: {  	(pc) =	sbr.rel $0x88, $3  }
0x1: {  	(tag) =	ssettag $0x0;
	lr =	simm.s32 $0x1  }
0x2: {  	[smem:$0x3FA0] =	sst lr;
	_ =	strace $0xD0000000  }
0x3: {  	_ = 	snop  }
0x4: {  	_ = 	snop  }
0x5: {  	_ = 	snop  }
0x6: {  	_ = 	snop  }
0x7: {  	_ = 	snop  }
__scs_overlays_trampoline_lowered:
0x8: {  	[smem:$0x3FAF] =	sst s0  }
0x9: {  	[smem:$0x3FB0] =	sst s1  }
0xa: {  	[smem:$0x3FB1] =	sst s2  }
0xb: {  	[smem:$0x3FB2] =	sst s3  }
0xc: {  	[smem:$0x3FB3] =	sst s4  }
0xd: {  	[smem:$0x3FB4] =	sst s5  }
0xe: {  	[smem:$0x3FB5] =	sst s6  }
0xf: {  	[smem:$0x3FB6] =	sst s7  }
0x10: {  	[smem:$0x3FB7] =	sst s8  }
0x11: {  	[smem:$0x3FB8] =	sst s9;
	s0 =	simm.s32 @!p0 $0x0  }
0x12: {  	s1 =	sld [smem:$0x3F9E];
	s0 =	simm.s32 @p0 $0x1  }
0x13: {  	[smem:$0x3FB9] =	sst s0;
	s0 =	simm.s32 @!p1 $0x0  }
0x14: {  	s2 =	sld [smem:$0x3F9D];
	s0 =	simm.s32 @p1 $0x1  }
0x15: {  	[smem:$0x3FBA] =	sst s0;
	s0 =	simm.s32 @!p2 $0x0  }
0x16: {  	s3 =	sld [smem:$0x3FDB];
	s0 =	simm.s32 @p2 $0x1  }
0x17: {  	s4 =	simm.s32 $0x1BF5;
	[smem:$0x3FBC] =	sst s0  }
0x18: {  	s0 =	sld [smem:$0x3F9F];
	_ =	swait.ge [sflag:s4], $0x0  }
0x19: {  	s7 =	sld [smem:$0x3FA0]  }
0x1a: {  	s8 =	sadd.s32 $0xFFFFE003, lr  }
0x1b: {  	s9 =	sadd.s32 $0xFFFFFEF7, lr;
	s5 =	simm.s32 $0xFFFFFFFF;
	p2 =	slt.u32 s8, $0xFFFFF086  }
0x1c: {  	p1 =	slt.u32 s9, $0xF7A;
	s5 =	simm.s32 @!p2 $0x0  }
0x1d: {  	s5 =	simm.s32 @p1 $0x1;
	p0 =	seq.s32 s7, s2  }
0x1e: {  	s7 =	smul.u32 @!p0 $0xF7A, s2;
	p2 =	seq.s32 @!p0 s5, $0x0  }
0x1f: {  	s9 =	smul.u32 $0xF7A, s1;
	s8 =	simm.s32 @!p0 $0x1BF5;
	p2 =	por !p2, p0  }
0x20: {  	[sflag:s8] =	ssyncset.s32 @!p0 $0xFFFFF086;
	s6 =	sadd.s32 @!p0 s3, s7;
	s7 =	simm.s32 @!p0 $0x108  }
0x21: {  	s3 =	sadd.s32 s3, s9;
	s6 =	sadd.s32 @!p0 $0x88, s6;
	s7 =	simm.s32 @p2 $0x1082  }
0x22: {  	[simem:s7], [sflag:s8] =	dma.local @!p0 [hbm:s6], $0xF7A  }
0x23: {  	s9 =	sor.u32 $0xD0000000, s2;
	s6 =	simm.s32 $0x108;
	_ =	swait.ge @!p0 [sflag:s8], $0x0  }
0x24: {  	s3 =	sadd.s32 $0x88, s3;
	s6 =	simm.s32 @!p1 $0x1082;
	[sflag:s4] =	ssyncset.s32 $0xFFFFF086  }
0x25: {  	[simem:s6], [sflag:s4] =	dma.local [hbm:s3], $0xF7A  }
0x26: {  	[smem:$0x3FA0] =	sst s1;
	(tag) =	ssettag s2;
	_ =	strace s9  }
0x27: {  	s1 =	sld [smem:$0x3FB0]  }
0x28: {  	s2 =	sld [smem:$0x3FB1]  }
0x29: {  	s4 =	sld [smem:$0x3FB3]  }
0x2a: {  	p0 =	seq.s32 s5, $0x0;
	s5 =	sld [smem:$0x3FB4]  }
0x2b: {  	s6 =	sld [smem:$0x3FB5]  }
0x2c: {  	s7 =	sld [smem:$0x3FB6]  }
0x2d: {  	s3 =	simm.s32 $0x108;
	s8 =	sld [smem:$0x3FB7]  }
0x2e: {  	s3 =	simm.s32 @!p0 $0x1082;
	s9 =	sld [smem:$0x3FB8]  }
0x2f: {  	lr =	sadd.s32 s0, s3;
	s0 =	sld [smem:$0x3FAF]  }
0x30: {  	s3 =	sld [smem:$0x3FB2]  }
0x31: {  	[smem:$0x3FBB] =	sst s10  }
0x32: {  	s10 =	sld [smem:$0x3FB9];
	_ =	sdelay $0x3  }
0x33: {  	p0 =	seq.s32 s10, $0x1;
	s10 =	sld [smem:$0x3FBB];
	_ =	sdelay $0x3  }
0x34: {  	[smem:$0x3FBB] =	sst s10  }
0x35: {  	s10 =	sld [smem:$0x3FBA];
	_ =	sdelay $0x3  }
0x36: {  	p1 =	seq.s32 s10, $0x1;
	s10 =	sld [smem:$0x3FBB];
	_ =	sdelay $0x3  }
0x37: {  	[smem:$0x3FBB] =	sst s10  }
0x38: {  	s10 =	sld [smem:$0x3FBC]  }
0x39: {  	_ = 	snop;
	(pc) =	sbr.ind lr, $3  }
0x3a: {  	_ = 	snop  }
0x3b: {  	_ = 	snop  }
0x3c: {  	p2 =	seq.s32 s10, $0x1;
	s10 =	sld [smem:$0x3FBB]  }
0x3d: {  	_ =	shalt  }
0x3e: {  	_ =	shalt  }
0x3f: {  	_ =	shalt  }
0x40: {  	_ =	shalt  }
0x41: {  	_ =	shalt  }
0x42: {  	_ =	shalt  }
0x43: {  	_ =	shalt  }
0x44: {  	_ =	shalt  }
0x45: {  	_ =	shalt  }
0x46: {  	_ =	shalt  }
0x47: {  	_ =	shalt  }
0x48: {  	_ =	shalt  }
0x49: {  	_ =	shalt  }
0x4a: {  	_ =	shalt  }
0x4b: {  	_ =	shalt  }
0x4c: {  	_ =	shalt  }
0x4d: {  	_ =	shalt  }
0x4e: {  	_ =	shalt  }
0x4f: {  	_ =	shalt  }
0x50: {  	_ =	shalt  }
0x51: {  	_ =	shalt  }
0x52: {  	_ =	shalt  }
0x53: {  	_ =	shalt  }
0x54: {  	_ =	shalt  }
0x55: {  	_ =	shalt  }
0x56: {  	_ =	shalt  }
0x57: {  	_ =	shalt  }
0x58: {  	_ =	shalt  }
0x59: {  	_ =	shalt  }
0x5a: {  	_ =	shalt  }
0x5b: {  	_ =	shalt  }
0x5c: {  	_ =	shalt  }
0x5d: {  	_ =	shalt  }
0x5e: {  	_ =	shalt  }
0x5f: {  	_ =	shalt  }
0x60: {  	_ =	shalt  }
0x61: {  	_ =	shalt  }
0x62: {  	_ =	shalt  }
0x63: {  	_ =	shalt  }
0x64: {  	_ =	shalt  }
0x65: {  	_ =	shalt  }
0x66: {  	_ =	shalt  }
0x67: {  	_ =	shalt  }
0x68: {  	_ =	shalt  }
0x69: {  	_ =	shalt  }
0x6a: {  	_ =	shalt  }
0x6b: {  	_ =	shalt  }
0x6c: {  	_ =	shalt  }
0x6d: {  	_ =	shalt  }
0x6e: {  	_ =	shalt  }
0x6f: {  	_ =	shalt  }
0x70: {  	_ =	shalt  }
0x71: {  	_ =	shalt  }
0x72: {  	_ =	shalt  }
0x73: {  	_ =	shalt  }
0x74: {  	_ =	shalt  }
0x75: {  	_ =	shalt  }
0x76: {  	_ =	shalt  }
0x77: {  	_ =	shalt  }
0x78: {  	_ =	shalt  }
0x79: {  	_ =	shalt  }
0x7a: {  	_ =	shalt  }
0x7b: {  	_ =	shalt  }
0x7c: {  	_ =	shalt  }
0x7d: {  	_ =	shalt  }
0x7e: {  	_ =	shalt  }
0x7f: {  	_ =	shalt  }
0x80: {  	_ =	shalt  }
0x81: {  	_ =	shalt  }
0x82: {  	_ =	shalt  }
0x83: {  	_ =	shalt  }
0x84: {  	_ =	shalt  }
0x85: {  	_ =	shalt  }
0x86: {  	_ =	shalt  }
0x87: {  	_ =	shalt  }
.Lfunc_end0:
.L_simem_size_0:
called_computation_lowered:
.L_overlay_start_0:
0x88: {  	s2 =	sld [smem:$0x3FD9]  }
0x89: {  	s3 =	sld [smem:$0x3FFE];
	_ =	sdelay $0x1  }
0x8a: {  	s1 =	srdreg.scid  }
0x8b: {  	s0 =	sand.u32 $0x1, s1  }
0x8c: {  	s17 =	sshll.u32 s0, $0xA;
	s2 =	sadd.s32 s3, s2  }
0x8d: {  	s2 =	sadd.s32 s2, s17  }
0x8e: {  	[smem:$0x3FC7] =	sst s2  }
0x8f: {  	_ = 	snop  }
0x90: {  	s2 =	sld [smem:$0x3FD0];
	(tm) =	ssettm $0x1  }
0x91: {  	s18 =	sld [smem:$0x3FFB];
	_ =	sdelay $0x3  }
0x92: {  	_ =	strace s18  }
0x93: {  	s3 =	sld [smem:$0x3FFC];
	_ =	sdelay $0x3  }
0x94: {  	_ =	strace s3  }
0x95: {  	s3 =	sld [smem:$0x3FFD];
	_ =	sdelay $0x3  }
0x96: {  	_ =	strace s3  }
0x97: {  	_ =	strace $0x8FFFFFFF  }
0x98: {  	s19 =	sld [smem:$0x3FDB];
	_ =	sdelay $0x1  }
0x99: {  	s4 =	simm.s32 $_scs_section_size  }
0x9a: {  	s5 =	simm.s32 $_size__tile_overlayer_lowered;
	s6 =	simm.s32 $_tile_overlayer_lowered  }
0x9b: {  	s22 =	simm.s32 $0x1BFF;
	s21 =	sshll.u32 s6, $0x1;
	s3 =	sadd.s32 s4, s19  }
0x9c: {  	s7 =	simm.s32 $0x0;
	s20 =	sshll.u32 s5, $0x1;
	s5 =	sadd.s32 s21, s3  }
0x9d: {  	[timem:s7], [sflag:s22] =	dma.local [hbm:s5], s20  }
0x9e: {  	_ =	swait.ge [sflag:s22], s20  }
0x9f: {  	s4 =	ssub.s32 $0x0, s20;
	[sflag:s22] =	ssyncset.done $0x0  }
0xa0: {  	[sflag:s22] =	ssyncadd.s32 s4;
	_ =	sdelay $0x1  }
0xa1: {  	s23 =	simm.s32 $0x1B8B  }
0xa2: {  	_ =	swait.ge [sflag:s23], $0x1  }
0xa3: {  	[sflag:s23] =	ssyncset.done $0x0  }
0xa4: {  	s25 =	simm.s32 $0x1B8E;
	s24 =	sld [smem:$0x3FFE];
	[sflag:s23] =	ssyncadd.s32 $0xFFFFFFFF  }
0xa5: {  	s26 =	simm.s32 $execute0_lowered;
	[smem:$0x3FD2] =	sst s25  }
0xa6: {  	s5 =	sshll.u32 s26, $0x1;
	_ =	strace $0x80000046;
	[dreg:$0x1] =	wrdreg $0xFFFFFFFF  }
0xa7: {  	s28 =	simm.s32 $_size_execute0_lowered;
	s3 =	sadd.s32 s3, s5;
	[dreg:$0x0] =	wrdreg $0x0  }
0xa8: {  	s5 =	sshll.u32 s28, $0x1;
	[dreg:$0x2] =	wrdreg s3  }
0xa9: {  	[dreg:$0x3] =	wrdreg s5  }
0xaa: {  	[dreg:$0x4] =	wrdreg $0xC0  }
0xab: {  	_ =	task [dreg:s7], $0x5FFFF  }
0xac: {  	[dreg:$0x1] =	wrdreg $0xFFFFFFFF  }
0xad: {  	[dreg:$0x0] =	wrdreg $0x60  }
0xae: {  	[dreg:$0x2] =	wrdreg s24  }
0xaf: {  	[dreg:$0x3] =	wrdreg s2  }
0xb0: {  	[dreg:$0x4] =	wrdreg $0x9  }
0xb1: {  	_ =	task.clear_ibuf [dreg:s7], $0x5FFFF;
	_ =	strace $0x90000046  }
0xb2: {  	s29 =	simm.s32 $0x9;
	_ =	strace $0x80000048  }
0xb3: {  	_ =	swait.ge [sflag:s29], $0x1  }
0xb4: {  	[sflag:s29] =	ssyncadd.s32 $0xFFFFFFFF  }
0xb5: {  	_ =	strace $0x90000048  }
0xb6: {  	_ =	sfence  }
0xb7: {  	s30 =	sld [smem:$0x0];
	_ =	sdelay $0x2  }
0xb8: {  	s31 =	sshll.u32 s1, $0xD;
	s1 =	sshrl.u32 s1, $0x2  }
0xb9: {  	s3 =	sand.u32 $0x4000, s31;
	s1 =	sadd.s32 s1, s30  }
0xba: {  	s0 =	sor.u32 s3, s0;
	s1 =	sshll.u32 s1, $0x11  }
0xbb: {  	s0 =	sor.u32 s1, s0  }
0xbc: {  	s0 =	sadd.s32 $0x8F2B, s0  }
0xbd: {  	[sflag:s0] =	ssyncadd.remote.s32 $0x1  }
0xbe: {  	_ =	sfence.sel $0xFFFF  }
0xbf: {  	[dreg:$0x0] =	wrdreg $0xFFFFFFFF;
	(pc) =	sbr.abs _section_cstart, $3  }
0xc0: {  	[dreg:$0x1] =	wrdreg $0xFFFFFFFF  }
0xc1: {  	_ =	task.clear_ibuf [dreg:s7], $0x2FFFF;
	_ =	strace $0x9FFFFFFF  }
0xc2: {  	(tm) =	ssettm $0x7FFFFFFF  }
0xc3: {  	_ =	shalt  }
tec
execute0_lowered:
.L_overlay_start_1:
0x0: {  	(tag) =	ssettag $0x1  }
0x1: {  	s1 =	srdreg.scid  }
0x2: {  	s0 =	stileid.u32;
	s6 =	sand.u32 $0x1, s1  }
0x3: {  	s5 =	rddreg [dreg:$0x0];
	s2 =	sshll.u32 s0, $0x7;
	s1 =	sshll.u32 s6, $0xB  }
0x4: {  	s8 =	rddreg [dreg:$0x1];
	s9 =	sor.u32 s2, s1  }
0x5: {  	s1 =	rddreg [dreg:$0x2];
	s2 =	simm.s32 $0x0;
	s3 =	sshrl.u32 s9, $0x3  }
0x6: {  	s10 =	ssub.s32 $0x2, s6;
	[smem:$0x7FF] =	sst s2;
	s3 =	sadd.s32 s3, s5  }
0x7: {  	_ =	strace $0x80000047;
	s4 =	sadd.s32 $0x10600, s3;
	s3 =	simm.s32 $0x2  }
0x8: {  	[tilespmem:s2], [sflag:$0x2] =	stream.linear.gather [hbm4b:s4+s2], $0x80, $0x38;
	[tilespmem:$0x880] =	vst v63  }
0x9: {  	s7 =	simm.s32 $0x1;
	s11 =	sshrl.u32 s10, $0x1;
	_ =	swait.ge [sflag:s3], $0x80  }
0xa: {  	s6 =	simm.s32 $0x80;
	s10 =	ssub.s32 s10, s11;
	[sflag:s3] =	ssyncset.done $0x0  }
0xb: {  	s5 =	sadd.s32 $0x600, s5;
	s31 =	smax.u32 s10, $0x1;
	[sflag:s3] =	ssyncadd.s32 $0xFFFFFF80  }
0xc: {  	[tilespmem:s6], [sflag:$0x1] =	stream.indirect.gather [hbm4b:s5+s6], $0x10, s2, s6, $0xb8;
	[tilespmem:$0x880] =	vst v63  }
0xd: {  	p0 =	sne.s32 s31, $0x1;
	_ =	swait.ge [sflag:s7], $0x800  }
.Ltmp0:
0xe: {  	s9 =	sshll.u32 s9, $0x1;
	[sflag:s7] =	ssyncset.done $0x0;
	(pc) =	sbr.rel @!p0 .LBB2_2-.Ltmp0, $4  }
0xf: {  	s8 =	sadd.s32 s8, s9;
	[sflag:s7] =	ssyncadd.s32 $0xFFFFF800  }
0x10: {  	[hbm4b:s8+s2] =	stream.linear.scatter [tilespmem:s6], [sflag:$0x2], $0x800, $0x38;
	[tilespmem:$0x880] =	vst v63  }
0x11: {  	_ =	swait.ge [sflag:s3], $0x800  }
0x12: {  	s9 =	sadd.s32 $0xFFFFFFFF, s31;
	[sflag:s3] =	ssyncset.done $0x0  }
.LBB2_1:
0x13: {  	p0 =	sne.s32 s9, $0x1;
	s9 =	sadd.s32 $0xFFFFFFFF, s9;
	[sflag:s3] =	ssyncadd.s32 $0xFFFFF800  }
0x14: {  	[tilespmem:s2], [sflag:$0x2] =	stream.linear.gather [hbm4b:s4+s2], $0x80, $0x38;
	[tilespmem:$0x880] =	vst v63  }
0x15: {  	_ =	swait.ge [sflag:s3], $0x80  }
0x16: {  	[sflag:s3] =	ssyncset.done $0x0  }
0x17: {  	[sflag:s3] =	ssyncadd.s32 $0xFFFFFF80  }
0x18: {  	[tilespmem:s6], [sflag:$0x1] =	stream.indirect.gather [hbm4b:s5+s6], $0x10, s2, s6, $0xb8;
	[tilespmem:$0x880] =	vst v63  }
0x19: {  	_ =	swait.ge [sflag:s7], $0x800  }
.Ltmp1:
0x1a: {  	[sflag:s7] =	ssyncset.done $0x0;
	(pc) =	sbr.rel @p0 .LBB2_1-.Ltmp1, $4  }
0x1b: {  	[sflag:s7] =	ssyncadd.s32 $0xFFFFF800  }
0x1c: {  	[hbm4b:s8+s2] =	stream.linear.scatter [tilespmem:s6], [sflag:$0x2], $0x800, $0x38;
	[tilespmem:$0x880] =	vst v63  }
0x1d: {  	_ =	swait.ge [sflag:s3], $0x800  }
0x1e: {  	[sflag:s3] =	ssyncset.done $0x0  }
.LBB2_2:
0x1f: {  	[sflag:s3] =	ssyncadd.s32 $0xFFFFF800  }
0x20: {  	_ =	sfence.sel $0x180000  }
0x21: {  	[bflag:$0x0] =	sbarrier.arrive $0xFFFF  }
0x22: {  	p0 =	sne.s32 s0, $0x0;
	_ =	strace $0x90000047  }
0x23: {  	s0 =	sadd.s32 @!p0 $0x100000, s1;
	[bflag:$0x2] =	sbarrier.arrive $0xFFFF  }
0x24: {  	[sflag:s0] =	ssyncadd.tile.s32 @!p0 $0x1;
	_ =	shalt  }
.Lfunc_end2:
_tile_overlayer_lowered:
.L_overlay_start_2:
0x25: {  	(tag) =	ssettag $0x2  }
0x26: {  	s0 =	rddreg [dreg:$0x0];
	s2 =	stileid.u32  }
0x27: {  	s1 =	rddreg [dreg:$0x1];
	p0 =	sne.s32 s2, $0x0  }
0x28: {  	s3 =	rddreg [dreg:$0x2];
	[bflag:$0x3] =	sbarrier.arrive $0xFFFF;
	s2 =	simm.s32 @!p0 $0x1C02  }
0x29: {  	[timem:s3], [sflag:s2] =	dma.local @!p0 [hbm:s0], s1  }
0x2a: {  	s0 =	simm.s32 @!p0 $0x2  }
0x2b: {  	_ =	swait.ge @!p0 [sflag:s0], s1  }
0x2c: {  	s1 =	ssub.s32 @!p0 $0x0, s1;
	[sflag:s0] =	ssyncset.done @!p0 $0x0  }
0x2d: {  	[sflag:s0] =	ssyncadd.s32 @!p0 s1  }
0x2e: {  	[bflag:$0x3] =	sbarrier.arrive $0xFFFF  }
0x2f: {  	_ =	shalt  }

// kernel: kernel.9.cloned.1.call-start
scs
__scs_entry_jumppad:
0x0: {  	(pc) =	sbr.rel $0x88, $3  }
0x1: {  	(tag) =	ssettag $0x0;
	lr =	simm.s32 $0x1  }
0x2: {  	[smem:$0x3FA0] =	sst lr;
	_ =	strace $0xD0000000  }
0x3: {  	_ = 	snop  }
0x4: {  	_ = 	snop  }
0x5: {  	_ = 	snop  }
0x6: {  	_ = 	snop  }
0x7: {  	_ = 	snop  }
__scs_overlays_trampoline_lowered:
0x8: {  	[smem:$0x3FAF] =	sst s0  }
0x9: {  	[smem:$0x3FB0] =	sst s1  }
0xa: {  	[smem:$0x3FB1] =	sst s2  }
0xb: {  	[smem:$0x3FB2] =	sst s3  }
0xc: {  	[smem:$0x3FB3] =	sst s4  }
0xd: {  	[smem:$0x3FB4] =	sst s5  }
0xe: {  	[smem:$0x3FB5] =	sst s6  }
0xf: {  	[smem:$0x3FB6] =	sst s7  }
0x10: {  	[smem:$0x3FB7] =	sst s8  }
0x11: {  	[smem:$0x3FB8] =	sst s9;
	s0 =	simm.s32 @!p0 $0x0  }
0x12: {  	s1 =	sld [smem:$0x3F9E];
	s0 =	simm.s32 @p0 $0x1  }
0x13: {  	[smem:$0x3FB9] =	sst s0;
	s0 =	simm.s32 @!p1 $0x0  }
0x14: {  	s2 =	sld [smem:$0x3F9D];
	s0 =	simm.s32 @p1 $0x1  }
0x15: {  	[smem:$0x3FBA] =	sst s0;
	s0 =	simm.s32 @!p2 $0x0  }
0x16: {  	s3 =	sld [smem:$0x3FDB];
	s0 =	simm.s32 @p2 $0x1  }
0x17: {  	s4 =	simm.s32 $0x1BF5;
	[smem:$0x3FBC] =	sst s0  }
0x18: {  	s0 =	sld [smem:$0x3F9F];
	_ =	swait.ge [sflag:s4], $0x0  }
0x19: {  	s7 =	sld [smem:$0x3FA0]  }
0x1a: {  	s8 =	sadd.s32 $0xFFFFE003, lr  }
0x1b: {  	s9 =	sadd.s32 $0xFFFFFEF7, lr;
	s5 =	simm.s32 $0xFFFFFFFF;
	p2 =	slt.u32 s8, $0xFFFFF086  }
0x1c: {  	p1 =	slt.u32 s9, $0xF7A;
	s5 =	simm.s32 @!p2 $0x0  }
0x1d: {  	s5 =	simm.s32 @p1 $0x1;
	p0 =	seq.s32 s7, s2  }
0x1e: {  	s7 =	smul.u32 @!p0 $0xF7A, s2;
	p2 =	seq.s32 @!p0 s5, $0x0  }
0x1f: {  	s9 =	smul.u32 $0xF7A, s1;
	s8 =	simm.s32 @!p0 $0x1BF5;
	p2 =	por !p2, p0  }
0x20: {  	[sflag:s8] =	ssyncset.s32 @!p0 $0xFFFFF086;
	s6 =	sadd.s32 @!p0 s3, s7;
	s7 =	simm.s32 @!p0 $0x108  }
0x21: {  	s3 =	sadd.s32 s3, s9;
	s6 =	sadd.s32 @!p0 $0x88, s6;
	s7 =	simm.s32 @p2 $0x1082  }
0x22: {  	[simem:s7], [sflag:s8] =	dma.local @!p0 [hbm:s6], $0xF7A  }
0x23: {  	s9 =	sor.u32 $0xD0000000, s2;
	s6 =	simm.s32 $0x108;
	_ =	swait.ge @!p0 [sflag:s8], $0x0  }
0x24: {  	s3 =	sadd.s32 $0x88, s3;
	s6 =	simm.s32 @!p1 $0x1082;
	[sflag:s4] =	ssyncset.s32 $0xFFFFF086  }
0x25: {  	[simem:s6], [sflag:s4] =	dma.local [hbm:s3], $0xF7A  }
0x26: {  	[smem:$0x3FA0] =	sst s1;
	(tag) =	ssettag s2;
	_ =	strace s9  }
0x27: {  	s1 =	sld [smem:$0x3FB0]  }
0x28: {  	s2 =	sld [smem:$0x3FB1]  }
0x29: {  	s4 =	sld [smem:$0x3FB3]  }
0x2a: {  	p0 =	seq.s32 s5, $0x0;
	s5 =	sld [smem:$0x3FB4]  }
0x2b: {  	s6 =	sld [smem:$0x3FB5]  }
0x2c: {  	s7 =	sld [smem:$0x3FB6]  }
0x2d: {  	s3 =	simm.s32 $0x108;
	s8 =	sld [smem:$0x3FB7]  }
0x2e: {  	s3 =	simm.s32 @!p0 $0x1082;
	s9 =	sld [smem:$0x3FB8]  }
0x2f: {  	lr =	sadd.s32 s0, s3;
	s0 =	sld [smem:$0x3FAF]  }
0x30: {  	s3 =	sld [smem:$0x3FB2]  }
0x31: {  	[smem:$0x3FBB] =	sst s10  }
0x32: {  	s10 =	sld [smem:$0x3FB9];
	_ =	sdelay $0x3  }
0x33: {  	p0 =	seq.s32 s10, $0x1;
	s10 =	sld [smem:$0x3FBB];
	_ =	sdelay $0x3  }
0x34: {  	[smem:$0x3FBB] =	sst s10  }
0x35: {  	s10 =	sld [smem:$0x3FBA];
	_ =	sdelay $0x3  }
0x36: {  	p1 =	seq.s32 s10, $0x1;
	s10 =	sld [smem:$0x3FBB];
	_ =	sdelay $0x3  }
0x37: {  	[smem:$0x3FBB] =	sst s10  }
0x38: {  	s10 =	sld [smem:$0x3FBC]  }
0x39: {  	_ = 	snop;
	(pc) =	sbr.ind lr, $3  }
0x3a: {  	_ = 	snop  }
0x3b: {  	_ = 	snop  }
0x3c: {  	p2 =	seq.s32 s10, $0x1;
	s10 =	sld [smem:$0x3FBB]  }
0x3d: {  	_ =	shalt  }
0x3e: {  	_ =	shalt  }
0x3f: {  	_ =	shalt  }
0x40: {  	_ =	shalt  }
0x41: {  	_ =	shalt  }
0x42: {  	_ =	shalt  }
0x43: {  	_ =	shalt  }
0x44: {  	_ =	shalt  }
0x45: {  	_ =	shalt  }
0x46: {  	_ =	shalt  }
0x47: {  	_ =	shalt  }
0x48: {  	_ =	shalt  }
0x49: {  	_ =	shalt  }
0x4a: {  	_ =	shalt  }
0x4b: {  	_ =	shalt  }
0x4c: {  	_ =	shalt  }
0x4d: {  	_ =	shalt  }
0x4e: {  	_ =	shalt  }
0x4f: {  	_ =	shalt  }
0x50: {  	_ =	shalt  }
0x51: {  	_ =	shalt  }
0x52: {  	_ =	shalt  }
0x53: {  	_ =	shalt  }
0x54: {  	_ =	shalt  }
0x55: {  	_ =	shalt  }
0x56: {  	_ =	shalt  }
0x57: {  	_ =	shalt  }
0x58: {  	_ =	shalt  }
0x59: {  	_ =	shalt  }
0x5a: {  	_ =	shalt  }
0x5b: {  	_ =	shalt  }
0x5c: {  	_ =	shalt  }
0x5d: {  	_ =	shalt  }
0x5e: {  	_ =	shalt  }
0x5f: {  	_ =	shalt  }
0x60: {  	_ =	shalt  }
0x61: {  	_ =	shalt  }
0x62: {  	_ =	shalt  }
0x63: {  	_ =	shalt  }
0x64: {  	_ =	shalt  }
0x65: {  	_ =	shalt  }
0x66: {  	_ =	shalt  }
0x67: {  	_ =	shalt  }
0x68: {  	_ =	shalt  }
0x69: {  	_ =	shalt  }
0x6a: {  	_ =	shalt  }
0x6b: {  	_ =	shalt  }
0x6c: {  	_ =	shalt  }
0x6d: {  	_ =	shalt  }
0x6e: {  	_ =	shalt  }
0x6f: {  	_ =	shalt  }
0x70: {  	_ =	shalt  }
0x71: {  	_ =	shalt  }
0x72: {  	_ =	shalt  }
0x73: {  	_ =	shalt  }
0x74: {  	_ =	shalt  }
0x75: {  	_ =	shalt  }
0x76: {  	_ =	shalt  }
0x77: {  	_ =	shalt  }
0x78: {  	_ =	shalt  }
0x79: {  	_ =	shalt  }
0x7a: {  	_ =	shalt  }
0x7b: {  	_ =	shalt  }
0x7c: {  	_ =	shalt  }
0x7d: {  	_ =	shalt  }
0x7e: {  	_ =	shalt  }
0x7f: {  	_ =	shalt  }
0x80: {  	_ =	shalt  }
0x81: {  	_ =	shalt  }
0x82: {  	_ =	shalt  }
0x83: {  	_ =	shalt  }
0x84: {  	_ =	shalt  }
0x85: {  	_ =	shalt  }
0x86: {  	_ =	shalt  }
0x87: {  	_ =	shalt  }
.Lfunc_end0:
.L_simem_size_0:
called_computation.1_lowered:
.L_overlay_start_0:
0x88: {  	s2 =	sld [smem:$0x3FD9]  }
0x89: {  	s3 =	sld [smem:$0x3FFE];
	_ =	sdelay $0x1  }
0x8a: {  	s1 =	srdreg.scid  }
0x8b: {  	s0 =	sand.u32 $0x1, s1  }
0x8c: {  	s17 =	sshll.u32 s0, $0xA;
	s2 =	sadd.s32 s3, s2  }
0x8d: {  	s2 =	sadd.s32 s2, s17  }
0x8e: {  	[smem:$0x3FC7] =	sst s2  }
0x8f: {  	_ = 	snop  }
0x90: {  	s2 =	sld [smem:$0x3FD0];
	(tm) =	ssettm $0x1  }
0x91: {  	s18 =	sld [smem:$0x3FFB];
	_ =	sdelay $0x3  }
0x92: {  	_ =	strace s18  }
0x93: {  	s3 =	sld [smem:$0x3FFC];
	_ =	sdelay $0x3  }
0x94: {  	_ =	strace s3  }
0x95: {  	s3 =	sld [smem:$0x3FFD];
	_ =	sdelay $0x3  }
0x96: {  	_ =	strace s3  }
0x97: {  	_ =	strace $0x8FFFFFFF  }
0x98: {  	s19 =	sld [smem:$0x3FDB];
	_ =	sdelay $0x1  }
0x99: {  	s4 =	simm.s32 $_scs_section_size  }
0x9a: {  	s5 =	simm.s32 $_size__tile_overlayer_lowered;
	s6 =	simm.s32 $_tile_overlayer_lowered  }
0x9b: {  	s22 =	simm.s32 $0x1BFF;
	s21 =	sshll.u32 s6, $0x1;
	s3 =	sadd.s32 s4, s19  }
0x9c: {  	s7 =	simm.s32 $0x0;
	s20 =	sshll.u32 s5, $0x1;
	s5 =	sadd.s32 s21, s3  }
0x9d: {  	[timem:s7], [sflag:s22] =	dma.local [hbm:s5], s20  }
0x9e: {  	_ =	swait.ge [sflag:s22], s20  }
0x9f: {  	s4 =	ssub.s32 $0x0, s20;
	[sflag:s22] =	ssyncset.done $0x0  }
0xa0: {  	[sflag:s22] =	ssyncadd.s32 s4;
	_ =	sdelay $0x1  }
0xa1: {  	s23 =	simm.s32 $0x1B8B  }
0xa2: {  	_ =	swait.ge [sflag:s23], $0x1  }
0xa3: {  	[sflag:s23] =	ssyncset.done $0x0  }
0xa4: {  	s25 =	simm.s32 $0x1B8E;
	s24 =	sld [smem:$0x3FFE];
	[sflag:s23] =	ssyncadd.s32 $0xFFFFFFFF  }
0xa5: {  	s26 =	simm.s32 $execute0_lowered;
	[smem:$0x3FD2] =	sst s25  }
0xa6: {  	s5 =	sshll.u32 s26, $0x1;
	_ =	strace $0x80000049;
	[dreg:$0x1] =	wrdreg $0xFFFFFFFF  }
0xa7: {  	s28 =	simm.s32 $_size_execute0_lowered;
	s3 =	sadd.s32 s3, s5;
	[dreg:$0x0] =	wrdreg $0x0  }
0xa8: {  	s5 =	sshll.u32 s28, $0x1;
	[dreg:$0x2] =	wrdreg s3  }
0xa9: {  	[dreg:$0x3] =	wrdreg s5  }
0xaa: {  	[dreg:$0x4] =	wrdreg $0xC0  }
0xab: {  	_ =	task [dreg:s7], $0x5FFFF  }
0xac: {  	[dreg:$0x1] =	wrdreg $0xFFFFFFFF  }
0xad: {  	[dreg:$0x0] =	wrdreg $0x60  }
0xae: {  	[dreg:$0x2] =	wrdreg s24  }
0xaf: {  	[dreg:$0x3] =	wrdreg s2  }
0xb0: {  	[dreg:$0x4] =	wrdreg $0x9  }
0xb1: {  	_ =	task.clear_ibuf [dreg:s7], $0x5FFFF;
	_ =	strace $0x90000049  }
0xb2: {  	s29 =	simm.s32 $0x9;
	_ =	strace $0x8000004B  }
0xb3: {  	_ =	swait.ge [sflag:s29], $0x1  }
0xb4: {  	[sflag:s29] =	ssyncadd.s32 $0xFFFFFFFF  }
0xb5: {  	_ =	strace $0x9000004B  }
0xb6: {  	_ =	sfence  }
0xb7: {  	s30 =	sld [smem:$0x0];
	_ =	sdelay $0x2  }
0xb8: {  	s31 =	sshll.u32 s1, $0xD;
	s1 =	sshrl.u32 s1, $0x2  }
0xb9: {  	s3 =	sand.u32 $0x4000, s31;
	s1 =	sadd.s32 s1, s30  }
0xba: {  	s0 =	sor.u32 s3, s0;
	s1 =	sshll.u32 s1, $0x11  }
0xbb: {  	s0 =	sor.u32 s1, s0  }
0xbc: {  	s0 =	sadd.s32 $0x8F2B, s0  }
0xbd: {  	[sflag:s0] =	ssyncadd.remote.s32 $0x1  }
0xbe: {  	_ =	sfence.sel $0xFFFF  }
0xbf: {  	[dreg:$0x0] =	wrdreg $0xFFFFFFFF;
	(pc) =	sbr.abs _section_cstart, $3  }
0xc0: {  	[dreg:$0x1] =	wrdreg $0xFFFFFFFF  }
0xc1: {  	_ =	task.clear_ibuf [dreg:s7], $0x2FFFF;
	_ =	strace $0x9FFFFFFF  }
0xc2: {  	(tm) =	ssettm $0x7FFFFFFF  }
0xc3: {  	_ =	shalt  }
tec
execute0_lowered:
.L_overlay_start_1:
0x0: {  	(tag) =	ssettag $0x1  }
0x1: {  	s0 =	srdreg.scid;
	s3 =	rddreg [dreg:$0x0]  }
0x2: {  	s4 =	rddreg [dreg:$0x1];
	s1 =	stileid.u32;
	s2 =	simm.s32 $0x0  }
0x3: {  	s20 =	simm.s32 $0x1000;
	s21 =	simm.s32 $0x100;
	s23 =	simm.s32 $0x1800  }
0x4: {  	s24 =	simm.s32 $0x180;
	s25 =	simm.s32 $0x2000;
	s26 =	simm.s32 $0x200  }
0x5: {  	s7 =	simm.s32 $0x80;
	s11 =	simm.s32 $0x300;
	s12 =	simm.s32 $0x3800  }
0x6: {  	s13 =	simm.s32 $0x380;
	s14 =	simm.s32 $0x4000;
	s15 =	simm.s32 $0x400  }
0x7: {  	s16 =	simm.s32 $0x4800;
	s17 =	simm.s32 $0x480;
	[smem:$0x7FF] =	sst s2  }
0x8: {  	s18 =	simm.s32 $0x5000;
	_ =	strace $0x8000004A;
	[dreg:$0x5] =	wrdreg s20  }
0x9: {  	p0 =	por $0x0, $0x0;
	s28 =	simm.s32 $0x700;
	[dreg:$0x6] =	wrdreg s21  }
0xa: {  	s29 =	simm.s32 $0x7800;
	s30 =	simm.s32 $0x780;
	[dreg:$0x7] =	wrdreg s23  }
0xb: {  	s31 =	simm.s32 $0x8000;
	s0 =	sand.u32 $0x1, s0;
	[dreg:$0x8] =	wrdreg s24  }
0xc: {  	s5 =	sshll.u32 s0, $0x4;
	s0 =	ssub.s32 $0x2, s0;
	[dreg:$0x9] =	wrdreg s25  }
0xd: {  	[dreg:$0xa] =	wrdreg s26;
	s20 =	simm.s32 $0x5800;
	s22 =	sshrl.u32 s0, $0x1  }
0xe: {  	s21 =	simm.s32 $0x580;
	s23 =	simm.s32 $0x600;
	s0 =	ssub.s32 s0, s22  }
0xf: {  	s24 =	simm.s32 $0x6800;
	s25 =	simm.s32 $0x680;
	s0 =	smax.u32 s0, $0x1  }
0x10: {  	s26 =	simm.s32 $0x7000;
	s5 =	sor.u32 s1, s5;
	p1 =	sne.s32 s0, $0x1  }
.Ltmp0:
0x11: {  	s6 =	sshll.u32 s5, $0xC;
	s5 =	sshll.u32 s5, $0x8;
	(pc) =	sbr.rel @!p1 .LBB2_3-.Ltmp0, $4  }
0x12: {  	s22 =	simm.s32 $0x6000;
	s6 =	sadd.s32 s6, s3;
	s4 =	sadd.s32 s4, s5  }
0x13: {  	s5 =	simm.s32 $0x1;
	[dreg:$0x3] =	wrdreg s4;
	s19 =	sadd.s32 $0x10600, s6  }
0x14: {  	s6 =	sadd.s32 $0x600, s3;
	s3 =	simm.s32 $0x2;
	s4 =	simm.s32 $0x800  }
0x15: {  	s0 =	sadd.s32 $0xFFFFFFFF, s0;
	[dreg:$0x4] =	wrdreg s19;
	s19 =	simm.s32 $0x500  }
0x16: {  	s1 =	rddreg [dreg:$0x3]  }
0x17: {  	[tilespmem:s2], [sflag:$0x2] =	stream.linear.gather [hbm4b:s1+s2], $0x800, $0x38;
	[tilespmem:$0x8800] =	vst v63  }
0x18: {  	_ =	swait.ge [sflag:s3], $0x800  }
0x19: {  	s10 =	rddreg [dreg:$0x6]  }
0x1a: {  	s1 =	rddreg [dreg:$0x7]  }
0x1b: {  	s8 =	rddreg [dreg:$0x9]  }
0x1c: {  	[dreg:$0xb] =	wrdreg s10  }
0x1d: {  	[sflag:s3] =	ssyncset.done $0x0;
	s10 =	smov.u32 s0;
	s0 =	rddreg [dreg:$0x5]  }
0x1e: {  	[sflag:s3] =	ssyncadd.s32 $0xFFFFF800;
	[dreg:$0xc] =	wrdreg s8  }
0x1f: {  	[tilespmem:s4], [sflag:$0x1] =	stream.indirect.gather [hbm4b:s6+s7], $0x10, s2, s7, $0xb8;
	[tilespmem:$0x8800] =	vst v63  }
0x20: {  	s8 =	rddreg [dreg:$0xb]  }
0x21: {  	[tilespmem:s0], [sflag:$0x1] =	stream.indirect.gather [hbm4b:s6+s7], $0x10, s7, s7, $0xb8;
	[tilespmem:$0x8800] =	vst v63  }
0x22: {  	s0 =	rddreg [dreg:$0x8]  }
0x23: {  	[tilespmem:s1], [sflag:$0x1] =	stream.indirect.gather [hbm4b:s6+s7], $0x10, s8, s7, $0xb8;
	[tilespmem:$0x8800] =	vst v63  }
0x24: {  	s8 =	rddreg [dreg:$0xc]  }
0x25: {  	[tilespmem:s8], [sflag:$0x1] =	stream.indirect.gather [hbm4b:s6+s7], $0x10, s0, s7, $0xb8;
	[tilespmem:$0x8800] =	vst v63  }
0x26: {  	s9 =	simm.s32 $0x2800;
	s1 =	rddreg [dreg:$0xa]  }
0x27: {  	[tilespmem:s9], [sflag:$0x1] =	stream.indirect.gather [hbm4b:s6+s7], $0x10, s1, s7, $0xb8;
	[tilespmem:$0x8800] =	vst v63  }
0x28: {  	s8 =	simm.s32 $0x280;
	s1 =	simm.s32 $0x3000  }
0x29: {  	[tilespmem:s1], [sflag:$0x1] =	stream.indirect.gather [hbm4b:s6+s7], $0x10, s8, s7, $0xb8;
	[tilespmem:$0x8800] =	vst v63  }
0x2a: {  	_ = 	snop  }
0x2b: {  	[tilespmem:s12], [sflag:$0x1] =	stream.indirect.gather [hbm4b:s6+s7], $0x10, s11, s7, $0xb8;
	[tilespmem:$0x8800] =	vst v63  }
0x2c: {  	_ = 	snop  }
0x2d: {  	[tilespmem:s14], [sflag:$0x1] =	stream.indirect.gather [hbm4b:s6+s7], $0x10, s13, s7, $0xb8;
	[tilespmem:$0x8800] =	vst v63  }
0x2e: {  	_ = 	snop  }
0x2f: {  	[tilespmem:s16], [sflag:$0x1] =	stream.indirect.gather [hbm4b:s6+s7], $0x10, s15, s7, $0xb8;
	[tilespmem:$0x8800] =	vst v63  }
0x30: {  	_ = 	snop  }
0x31: {  	[tilespmem:s18], [sflag:$0x1] =	stream.indirect.gather [hbm4b:s6+s7], $0x10, s17, s7, $0xb8;
	[tilespmem:$0x8800] =	vst v63  }
0x32: {  	_ = 	snop  }
0x33: {  	[tilespmem:s20], [sflag:$0x1] =	stream.indirect.gather [hbm4b:s6+s7], $0x10, s19, s7, $0xb8;
	[tilespmem:$0x8800] =	vst v63  }
0x34: {  	_ = 	snop  }
0x35: {  	[tilespmem:s22], [sflag:$0x1] =	stream.indirect.gather [hbm4b:s6+s7], $0x10, s21, s7, $0xb8;
	[tilespmem:$0x8800] =	vst v63  }
0x36: {  	_ = 	snop  }
0x37: {  	[tilespmem:s24], [sflag:$0x1] =	stream.indirect.gather [hbm4b:s6+s7], $0x10, s23, s7, $0xb8;
	[tilespmem:$0x8800] =	vst v63  }
0x38: {  	_ = 	snop  }
0x39: {  	[tilespmem:s26], [sflag:$0x1] =	stream.indirect.gather [hbm4b:s6+s7], $0x10, s25, s7, $0xb8;
	[tilespmem:$0x8800] =	vst v63  }
0x3a: {  	_ = 	snop  }
0x3b: {  	[tilespmem:s29], [sflag:$0x1] =	stream.indirect.gather [hbm4b:s6+s7], $0x10, s28, s7, $0xb8;
	[tilespmem:$0x8800] =	vst v63  }
0x3c: {  	_ = 	snop  }
0x3d: {  	[tilespmem:s31], [sflag:$0x1] =	stream.indirect.gather [hbm4b:s6+s7], $0x10, s30, s7, $0xb8;
	[tilespmem:$0x8800] =	vst v63  }
0x3e: {  	_ =	swait.ge [sflag:s5], $0x800  }
0x3f: {  	[sflag:s5] =	ssyncset.done $0x0  }
0x40: {  	[sflag:s5] =	ssyncadd.s32 $0xFFFFF800  }
0x41: {  	_ =	swait.ge [sflag:s5], $0x800  }
0x42: {  	[sflag:s5] =	ssyncset.done $0x0  }
0x43: {  	[sflag:s5] =	ssyncadd.s32 $0xFFFFF800  }
0x44: {  	_ =	swait.ge [sflag:s5], $0x800  }
0x45: {  	[sflag:s5] =	ssyncset.done $0x0  }
0x46: {  	[sflag:s5] =	ssyncadd.s32 $0xFFFFF800  }
0x47: {  	_ =	swait.ge [sflag:s5], $0x800  }
0x48: {  	[sflag:s5] =	ssyncset.done $0x0  }
0x49: {  	[sflag:s5] =	ssyncadd.s32 $0xFFFFF800  }
0x4a: {  	_ =	swait.ge [sflag:s5], $0x800  }
0x4b: {  	[sflag:s5] =	ssyncset.done $0x0  }
0x4c: {  	[sflag:s5] =	ssyncadd.s32 $0xFFFFF800  }
0x4d: {  	_ =	swait.ge [sflag:s5], $0x800  }
0x4e: {  	[sflag:s5] =	ssyncset.done $0x0  }
0x4f: {  	[sflag:s5] =	ssyncadd.s32 $0xFFFFF800  }
0x50: {  	_ =	swait.ge [sflag:s5], $0x800  }
0x51: {  	[sflag:s5] =	ssyncset.done $0x0  }
0x52: {  	[sflag:s5] =	ssyncadd.s32 $0xFFFFF800  }
0x53: {  	_ =	swait.ge [sflag:s5], $0x800  }
0x54: {  	[sflag:s5] =	ssyncset.done $0x0  }
0x55: {  	[sflag:s5] =	ssyncadd.s32 $0xFFFFF800  }
0x56: {  	_ =	swait.ge [sflag:s5], $0x800  }
0x57: {  	[sflag:s5] =	ssyncset.done $0x0  }
0x58: {  	[sflag:s5] =	ssyncadd.s32 $0xFFFFF800  }
0x59: {  	_ =	swait.ge [sflag:s5], $0x800  }
0x5a: {  	[sflag:s5] =	ssyncset.done $0x0  }
0x5b: {  	[sflag:s5] =	ssyncadd.s32 $0xFFFFF800  }
0x5c: {  	_ =	swait.ge [sflag:s5], $0x800  }
0x5d: {  	[sflag:s5] =	ssyncset.done $0x0  }
0x5e: {  	[sflag:s5] =	ssyncadd.s32 $0xFFFFF800  }
0x5f: {  	_ =	swait.ge [sflag:s5], $0x800  }
0x60: {  	[sflag:s5] =	ssyncset.done $0x0  }
0x61: {  	[sflag:s5] =	ssyncadd.s32 $0xFFFFF800  }
0x62: {  	_ =	swait.ge [sflag:s5], $0x800  }
0x63: {  	[sflag:s5] =	ssyncset.done $0x0  }
0x64: {  	[sflag:s5] =	ssyncadd.s32 $0xFFFFF800  }
0x65: {  	_ =	swait.ge [sflag:s5], $0x800  }
0x66: {  	[sflag:s5] =	ssyncset.done $0x0  }
0x67: {  	[sflag:s5] =	ssyncadd.s32 $0xFFFFF800  }
0x68: {  	_ =	swait.ge [sflag:s5], $0x800  }
0x69: {  	p1 =	sne.s32 s10, $0x1;
	[sflag:s5] =	ssyncset.done $0x0  }
.Ltmp1:
0x6a: {  	[sflag:s5] =	ssyncadd.s32 $0xFFFFF800;
	(pc) =	sbr.rel @!p1 .LBB2_3-.Ltmp1, $4  }
0x6b: {  	_ =	swait.ge [sflag:s5], $0x800  }
0x6c: {  	p0 =	por $0x1, $0x1;
	[sflag:s5] =	ssyncset.done $0x0  }
0x6d: {  	s0 =	sadd.s32 $0xFFFFFFFF, s10;
	s9 =	rddreg [dreg:$0x4];
	[sflag:s5] =	ssyncadd.s32 $0xFFFFF800  }
0x6e: {  	[hbm4b:s9+s2] =	stream.linear.scatter [tilespmem:s4], [sflag:$0x2], $0x8000, $0x38;
	[tilespmem:$0x8800] =	vst v63  }
.LBB2_2:
0x6f: {  	_ =	swait.ge [sflag:s3], $0x8000  }
0x70: {  	[sflag:s3] =	ssyncset.done $0x0  }
0x71: {  	s1 =	rddreg [dreg:$0x3];
	[sflag:s3] =	ssyncadd.s32 $0xFFFF8000  }
0x72: {  	[tilespmem:s2], [sflag:$0x2] =	stream.linear.gather [hbm4b:s1+s2], $0x800, $0x38;
	[tilespmem:$0x8800] =	vst v63  }
0x73: {  	_ =	swait.ge [sflag:s3], $0x800  }
0x74: {  	s1 =	rddreg [dreg:$0x6];
	[sflag:s3] =	ssyncset.done $0x0  }
0x75: {  	s8 =	rddreg [dreg:$0x5];
	[sflag:s3] =	ssyncadd.s32 $0xFFFFF800  }
0x76: {  	[tilespmem:s4], [sflag:$0x1] =	stream.indirect.gather [hbm4b:s6+s7], $0x10, s2, s7, $0xb8;
	[tilespmem:$0x8800] =	vst v63  }
0x77: {  	s9 =	rddreg [dreg:$0x7]  }
0x78: {  	[tilespmem:s8], [sflag:$0x1] =	stream.indirect.gather [hbm4b:s6+s7], $0x10, s7, s7, $0xb8;
	[tilespmem:$0x8800] =	vst v63  }
0x79: {  	s10 =	rddreg [dreg:$0x9]  }
0x7a: {  	[tilespmem:s9], [sflag:$0x1] =	stream.indirect.gather [hbm4b:s6+s7], $0x10, s1, s7, $0xb8;
	[tilespmem:$0x8800] =	vst v63  }
0x7b: {  	s8 =	rddreg [dreg:$0x8]  }
0x7c: {  	[tilespmem:s10], [sflag:$0x1] =	stream.indirect.gather [hbm4b:s6+s7], $0x10, s8, s7, $0xb8;
	[tilespmem:$0x8800] =	vst v63  }
0x7d: {  	s1 =	rddreg [dreg:$0xa];
	s10 =	simm.s32 $0x2800  }
0x7e: {  	[tilespmem:s10], [sflag:$0x1] =	stream.indirect.gather [hbm4b:s6+s7], $0x10, s1, s7, $0xb8;
	[tilespmem:$0x8800] =	vst v63  }
0x7f: {  	s9 =	simm.s32 $0x280;
	s8 =	simm.s32 $0x3000  }
0x80: {  	[tilespmem:s8], [sflag:$0x1] =	stream.indirect.gather [hbm4b:s6+s7], $0x10, s9, s7, $0xb8;
	[tilespmem:$0x8800] =	vst v63  }
0x81: {  	_ = 	snop  }
0x82: {  	[tilespmem:s12], [sflag:$0x1] =	stream.indirect.gather [hbm4b:s6+s7], $0x10, s11, s7, $0xb8;
	[tilespmem:$0x8800] =	vst v63  }
0x83: {  	_ = 	snop  }
0x84: {  	[tilespmem:s14], [sflag:$0x1] =	stream.indirect.gather [hbm4b:s6+s7], $0x10, s13, s7, $0xb8;
	[tilespmem:$0x8800] =	vst v63  }
0x85: {  	_ = 	snop  }
0x86: {  	[tilespmem:s16], [sflag:$0x1] =	stream.indirect.gather [hbm4b:s6+s7], $0x10, s15, s7, $0xb8;
	[tilespmem:$0x8800] =	vst v63  }
0x87: {  	_ = 	snop  }
0x88: {  	[tilespmem:s18], [sflag:$0x1] =	stream.indirect.gather [hbm4b:s6+s7], $0x10, s17, s7, $0xb8;
	[tilespmem:$0x8800] =	vst v63  }
0x89: {  	_ = 	snop  }
0x8a: {  	[tilespmem:s20], [sflag:$0x1] =	stream.indirect.gather [hbm4b:s6+s7], $0x10, s19, s7, $0xb8;
	[tilespmem:$0x8800] =	vst v63  }
0x8b: {  	_ = 	snop  }
0x8c: {  	[tilespmem:s22], [sflag:$0x1] =	stream.indirect.gather [hbm4b:s6+s7], $0x10, s21, s7, $0xb8;
	[tilespmem:$0x8800] =	vst v63  }
0x8d: {  	_ = 	snop  }
0x8e: {  	[tilespmem:s24], [sflag:$0x1] =	stream.indirect.gather [hbm4b:s6+s7], $0x10, s23, s7, $0xb8;
	[tilespmem:$0x8800] =	vst v63  }
0x8f: {  	_ = 	snop  }
0x90: {  	[tilespmem:s26], [sflag:$0x1] =	stream.indirect.gather [hbm4b:s6+s7], $0x10, s25, s7, $0xb8;
	[tilespmem:$0x8800] =	vst v63  }
0x91: {  	_ = 	snop  }
0x92: {  	[tilespmem:s29], [sflag:$0x1] =	stream.indirect.gather [hbm4b:s6+s7], $0x10, s28, s7, $0xb8;
	[tilespmem:$0x8800] =	vst v63  }
0x93: {  	_ = 	snop  }
0x94: {  	[tilespmem:s31], [sflag:$0x1] =	stream.indirect.gather [hbm4b:s6+s7], $0x10, s30, s7, $0xb8;
	[tilespmem:$0x8800] =	vst v63  }
0x95: {  	_ =	swait.ge [sflag:s5], $0x800  }
0x96: {  	[sflag:s5] =	ssyncset.done $0x0  }
0x97: {  	[sflag:s5] =	ssyncadd.s32 $0xFFFFF800  }
0x98: {  	_ =	swait.ge [sflag:s5], $0x800  }
0x99: {  	[sflag:s5] =	ssyncset.done $0x0  }
0x9a: {  	[sflag:s5] =	ssyncadd.s32 $0xFFFFF800  }
0x9b: {  	_ =	swait.ge [sflag:s5], $0x800  }
0x9c: {  	[sflag:s5] =	ssyncset.done $0x0  }
0x9d: {  	[sflag:s5] =	ssyncadd.s32 $0xFFFFF800  }
0x9e: {  	_ =	swait.ge [sflag:s5], $0x800  }
0x9f: {  	[sflag:s5] =	ssyncset.done $0x0  }
0xa0: {  	[sflag:s5] =	ssyncadd.s32 $0xFFFFF800  }
0xa1: {  	_ =	swait.ge [sflag:s5], $0x800  }
0xa2: {  	[sflag:s5] =	ssyncset.done $0x0  }
0xa3: {  	[sflag:s5] =	ssyncadd.s32 $0xFFFFF800  }
0xa4: {  	_ =	swait.ge [sflag:s5], $0x800  }
0xa5: {  	[sflag:s5] =	ssyncset.done $0x0  }
0xa6: {  	[sflag:s5] =	ssyncadd.s32 $0xFFFFF800  }
0xa7: {  	_ =	swait.ge [sflag:s5], $0x800  }
0xa8: {  	[sflag:s5] =	ssyncset.done $0x0  }
0xa9: {  	[sflag:s5] =	ssyncadd.s32 $0xFFFFF800  }
0xaa: {  	_ =	swait.ge [sflag:s5], $0x800  }
0xab: {  	[sflag:s5] =	ssyncset.done $0x0  }
0xac: {  	[sflag:s5] =	ssyncadd.s32 $0xFFFFF800  }
0xad: {  	_ =	swait.ge [sflag:s5], $0x800  }
0xae: {  	[sflag:s5] =	ssyncset.done $0x0  }
0xaf: {  	[sflag:s5] =	ssyncadd.s32 $0xFFFFF800  }
0xb0: {  	_ =	swait.ge [sflag:s5], $0x800  }
0xb1: {  	[sflag:s5] =	ssyncset.done $0x0  }
0xb2: {  	[sflag:s5] =	ssyncadd.s32 $0xFFFFF800  }
0xb3: {  	_ =	swait.ge [sflag:s5], $0x800  }
0xb4: {  	[sflag:s5] =	ssyncset.done $0x0  }
0xb5: {  	[sflag:s5] =	ssyncadd.s32 $0xFFFFF800  }
0xb6: {  	_ =	swait.ge [sflag:s5], $0x800  }
0xb7: {  	[sflag:s5] =	ssyncset.done $0x0  }
0xb8: {  	[sflag:s5] =	ssyncadd.s32 $0xFFFFF800  }
0xb9: {  	_ =	swait.ge [sflag:s5], $0x800  }
0xba: {  	[sflag:s5] =	ssyncset.done $0x0  }
0xbb: {  	[sflag:s5] =	ssyncadd.s32 $0xFFFFF800  }
0xbc: {  	_ =	swait.ge [sflag:s5], $0x800  }
0xbd: {  	[sflag:s5] =	ssyncset.done $0x0  }
0xbe: {  	[sflag:s5] =	ssyncadd.s32 $0xFFFFF800  }
0xbf: {  	_ =	swait.ge [sflag:s5], $0x800  }
0xc0: {  	p1 =	sne.s32 s0, $0x1;
	[sflag:s5] =	ssyncset.done $0x0  }
.Ltmp2:
0xc1: {  	[sflag:s5] =	ssyncadd.s32 $0xFFFFF800;
	(pc) =	sbr.rel @p1 .LBB2_2-.Ltmp2, $4  }
0xc2: {  	_ =	swait.ge [sflag:s5], $0x800  }
0xc3: {  	[sflag:s5] =	ssyncset.done $0x0  }
0xc4: {  	s0 =	sadd.s32 $0xFFFFFFFF, s0;
	s10 =	rddreg [dreg:$0x4];
	[sflag:s5] =	ssyncadd.s32 $0xFFFFF800  }
0xc5: {  	[hbm4b:s10+s2] =	stream.linear.scatter [tilespmem:s4], [sflag:$0x2], $0x8000, $0x38;
	[tilespmem:$0x8800] =	vst v63  }
.LBB2_3:
0xc6: {  	_ =	swait.ge @p0 [sflag:s3], $0x8000  }
0xc7: {  	[sflag:s3] =	ssyncset.done @p0 $0x0  }
0xc8: {  	s0 =	rddreg [dreg:$0x3];
	[sflag:s3] =	ssyncadd.s32 @p0 $0xFFFF8000  }
0xc9: {  	[tilespmem:s2], [sflag:$0x2] =	stream.linear.gather [hbm4b:s0+s2], $0x800, $0x38;
	[tilespmem:$0x8800] =	vst v63  }
0xca: {  	_ =	swait.ge [sflag:s3], $0x800  }
0xcb: {  	[sflag:s3] =	ssyncset.done $0x0;
	s10 =	rddreg [dreg:$0x5]  }
0xcc: {  	s0 =	rddreg [dreg:$0x6];
	[sflag:s3] =	ssyncadd.s32 $0xFFFFF800  }
0xcd: {  	[tilespmem:s4], [sflag:$0x1] =	stream.indirect.gather [hbm4b:s6+s7], $0x10, s2, s7, $0xb8;
	[tilespmem:$0x8800] =	vst v63  }
0xce: {  	s1 =	rddreg [dreg:$0x7]  }
0xcf: {  	[tilespmem:s10], [sflag:$0x1] =	stream.indirect.gather [hbm4b:s6+s7], $0x10, s7, s7, $0xb8;
	[tilespmem:$0x8800] =	vst v63  }
0xd0: {  	s8 =	rddreg [dreg:$0x9]  }
0xd1: {  	[tilespmem:s1], [sflag:$0x1] =	stream.indirect.gather [hbm4b:s6+s7], $0x10, s0, s7, $0xb8;
	[tilespmem:$0x8800] =	vst v63  }
0xd2: {  	s9 =	rddreg [dreg:$0x8]  }
0xd3: {  	[tilespmem:s8], [sflag:$0x1] =	stream.indirect.gather [hbm4b:s6+s7], $0x10, s9, s7, $0xb8;
	[tilespmem:$0x8800] =	vst v63  }
0xd4: {  	s10 =	simm.s32 $0x2800;
	s1 =	rddreg [dreg:$0xa]  }
0xd5: {  	[tilespmem:s10], [sflag:$0x1] =	stream.indirect.gather [hbm4b:s6+s7], $0x10, s1, s7, $0xb8;
	[tilespmem:$0x8800] =	vst v63  }
0xd6: {  	s9 =	simm.s32 $0x3000;
	s10 =	simm.s32 $0x280  }
0xd7: {  	[tilespmem:s9], [sflag:$0x1] =	stream.indirect.gather [hbm4b:s6+s7], $0x10, s10, s7, $0xb8;
	[tilespmem:$0x8800] =	vst v63  }
0xd8: {  	_ = 	snop  }
0xd9: {  	[tilespmem:s12], [sflag:$0x1] =	stream.indirect.gather [hbm4b:s6+s7], $0x10, s11, s7, $0xb8;
	[tilespmem:$0x8800] =	vst v63  }
0xda: {  	_ = 	snop  }
0xdb: {  	[tilespmem:s14], [sflag:$0x1] =	stream.indirect.gather [hbm4b:s6+s7], $0x10, s13, s7, $0xb8;
	[tilespmem:$0x8800] =	vst v63  }
0xdc: {  	_ = 	snop  }
0xdd: {  	[tilespmem:s16], [sflag:$0x1] =	stream.indirect.gather [hbm4b:s6+s7], $0x10, s15, s7, $0xb8;
	[tilespmem:$0x8800] =	vst v63  }
0xde: {  	_ = 	snop  }
0xdf: {  	[tilespmem:s18], [sflag:$0x1] =	stream.indirect.gather [hbm4b:s6+s7], $0x10, s17, s7, $0xb8;
	[tilespmem:$0x8800] =	vst v63  }
0xe0: {  	_ = 	snop  }
0xe1: {  	[tilespmem:s20], [sflag:$0x1] =	stream.indirect.gather [hbm4b:s6+s7], $0x10, s19, s7, $0xb8;
	[tilespmem:$0x8800] =	vst v63  }
0xe2: {  	_ = 	snop  }
0xe3: {  	[tilespmem:s22], [sflag:$0x1] =	stream.indirect.gather [hbm4b:s6+s7], $0x10, s21, s7, $0xb8;
	[tilespmem:$0x8800] =	vst v63  }
0xe4: {  	_ = 	snop  }
0xe5: {  	[tilespmem:s24], [sflag:$0x1] =	stream.indirect.gather [hbm4b:s6+s7], $0x10, s23, s7, $0xb8;
	[tilespmem:$0x8800] =	vst v63  }
0xe6: {  	_ = 	snop  }
0xe7: {  	[tilespmem:s26], [sflag:$0x1] =	stream.indirect.gather [hbm4b:s6+s7], $0x10, s25, s7, $0xb8;
	[tilespmem:$0x8800] =	vst v63  }
0xe8: {  	_ = 	snop  }
0xe9: {  	[tilespmem:s29], [sflag:$0x1] =	stream.indirect.gather [hbm4b:s6+s7], $0x10, s28, s7, $0xb8;
	[tilespmem:$0x8800] =	vst v63  }
0xea: {  	_ = 	snop  }
0xeb: {  	[tilespmem:s31], [sflag:$0x1] =	stream.indirect.gather [hbm4b:s6+s7], $0x10, s30, s7, $0xb8;
	[tilespmem:$0x8800] =	vst v63  }
0xec: {  	_ =	swait.ge [sflag:s5], $0x800  }
0xed: {  	[sflag:s5] =	ssyncset.done $0x0  }
0xee: {  	[sflag:s5] =	ssyncadd.s32 $0xFFFFF800  }
0xef: {  	_ =	swait.ge [sflag:s5], $0x800  }
0xf0: {  	[sflag:s5] =	ssyncset.done $0x0  }
0xf1: {  	[sflag:s5] =	ssyncadd.s32 $0xFFFFF800  }
0xf2: {  	_ =	swait.ge [sflag:s5], $0x800  }
0xf3: {  	[sflag:s5] =	ssyncset.done $0x0  }
0xf4: {  	[sflag:s5] =	ssyncadd.s32 $0xFFFFF800  }
0xf5: {  	_ =	swait.ge [sflag:s5], $0x800  }
0xf6: {  	[sflag:s5] =	ssyncset.done $0x0  }
0xf7: {  	[sflag:s5] =	ssyncadd.s32 $0xFFFFF800  }
0xf8: {  	_ =	swait.ge [sflag:s5], $0x800  }
0xf9: {  	[sflag:s5] =	ssyncset.done $0x0  }
0xfa: {  	[sflag:s5] =	ssyncadd.s32 $0xFFFFF800  }
0xfb: {  	_ =	swait.ge [sflag:s5], $0x800  }
0xfc: {  	[sflag:s5] =	ssyncset.done $0x0  }
0xfd: {  	[sflag:s5] =	ssyncadd.s32 $0xFFFFF800  }
0xfe: {  	_ =	swait.ge [sflag:s5], $0x800  }
0xff: {  	[sflag:s5] =	ssyncset.done $0x0  }
0x100: {  	[sflag:s5] =	ssyncadd.s32 $0xFFFFF800  }
0x101: {  	_ =	swait.ge [sflag:s5], $0x800  }
0x102: {  	[sflag:s5] =	ssyncset.done $0x0  }
0x103: {  	[sflag:s5] =	ssyncadd.s32 $0xFFFFF800  }
0x104: {  	_ =	swait.ge [sflag:s5], $0x800  }
0x105: {  	[sflag:s5] =	ssyncset.done $0x0  }
0x106: {  	[sflag:s5] =	ssyncadd.s32 $0xFFFFF800  }
0x107: {  	_ =	swait.ge [sflag:s5], $0x800  }
0x108: {  	[sflag:s5] =	ssyncset.done $0x0  }
0x109: {  	[sflag:s5] =	ssyncadd.s32 $0xFFFFF800  }
0x10a: {  	_ =	swait.ge [sflag:s5], $0x800  }
0x10b: {  	[sflag:s5] =	ssyncset.done $0x0  }
0x10c: {  	[sflag:s5] =	ssyncadd.s32 $0xFFFFF800  }
0x10d: {  	_ =	swait.ge [sflag:s5], $0x800  }
0x10e: {  	[sflag:s5] =	ssyncset.done $0x0  }
0x10f: {  	[sflag:s5] =	ssyncadd.s32 $0xFFFFF800  }
0x110: {  	_ =	swait.ge [sflag:s5], $0x800  }
0x111: {  	[sflag:s5] =	ssyncset.done $0x0  }
0x112: {  	[sflag:s5] =	ssyncadd.s32 $0xFFFFF800  }
0x113: {  	_ =	swait.ge [sflag:s5], $0x800  }
0x114: {  	[sflag:s5] =	ssyncset.done $0x0  }
0x115: {  	[sflag:s5] =	ssyncadd.s32 $0xFFFFF800  }
0x116: {  	_ =	swait.ge [sflag:s5], $0x800  }
0x117: {  	[sflag:s5] =	ssyncset.done $0x0  }
0x118: {  	[sflag:s5] =	ssyncadd.s32 $0xFFFFF800  }
0x119: {  	_ =	swait.ge [sflag:s5], $0x800  }
0x11a: {  	[sflag:s5] =	ssyncset.done $0x0  }
0x11b: {  	s30 =	rddreg [dreg:$0x4];
	[sflag:s5] =	ssyncadd.s32 $0xFFFFF800  }
0x11c: {  	[hbm4b:s30+s2] =	stream.linear.scatter [tilespmem:s4], [sflag:$0x2], $0x8000, $0x38;
	[tilespmem:$0x8800] =	vst v63  }
0x11d: {  	_ =	swait.ge [sflag:s3], $0x8000  }
0x11e: {  	[sflag:s3] =	ssyncset.done $0x0  }
0x11f: {  	[sflag:s3] =	ssyncadd.s32 $0xFFFF8000  }
0x120: {  	_ =	sfence.sel $0x180000  }
0x121: {  	[bflag:$0x0] =	sbarrier.arrive $0xFFFF  }
0x122: {  	_ =	strace $0x9000004A  }
0x123: {  	s31 =	stileid.u32;
	[bflag:$0x2] =	sbarrier.arrive $0xFFFF  }
0x124: {  	p0 =	sne.s32 s31, $0x0;
	s0 =	rddreg [dreg:$0x2]  }
0x125: {  	s0 =	sadd.s32 @!p0 $0x100000, s0  }
0x126: {  	[sflag:s0] =	ssyncadd.tile.s32 @!p0 $0x1;
	_ =	shalt  }
.Lfunc_end2:
_tile_overlayer_lowered:
.L_overlay_start_2:
0x127: {  	(tag) =	ssettag $0x2  }
0x128: {  	s0 =	rddreg [dreg:$0x0];
	s2 =	stileid.u32  }
0x129: {  	s1 =	rddreg [dreg:$0x1];
	p0 =	sne.s32 s2, $0x0  }
0x12a: {  	s3 =	rddreg [dreg:$0x2];
	[bflag:$0x3] =	sbarrier.arrive $0xFFFF;
	s2 =	simm.s32 @!p0 $0x1C02  }
0x12b: {  	[timem:s3], [sflag:s2] =	dma.local @!p0 [hbm:s0], s1  }
0x12c: {  	s0 =	simm.s32 @!p0 $0x2  }
0x12d: {  	_ =	swait.ge @!p0 [sflag:s0], s1  }
0x12e: {  	s1 =	ssub.s32 @!p0 $0x0, s1;
	[sflag:s0] =	ssyncset.done @!p0 $0x0  }
0x12f: {  	[sflag:s0] =	ssyncadd.s32 @!p0 s1  }
0x130: {  	[bflag:$0x3] =	sbarrier.arrive $0xFFFF  }
0x131: {  	_ =	shalt  }

</sc_bundles>
